<compile_context>
chip_gen: v7x
topology: tpu7x:2x2x1
jax: 0.10.2.dev20260603
libtpu: 0.0.44.dev20260713+nightly
codegen_flags: <defaults>
</compile_context>

<pallas_src>
import functools

import jax
import jax.numpy as jnp
from jax import lax
from jax.experimental import pallas as pl
from jax.experimental.pallas import tpu as pltpu
from jax.experimental.pallas import tpu_sc as plsc

NETP = 16
ECH = 512
K = 128
NSC = 2
NSUB = 16


def _dot(a, b, ca, cb):
    return lax.dot_general(a, b, (((ca,), (cb,)), ((), ())),
                           preferred_element_type=jnp.float32)



def _a_body(nn_ref, src_ref, dst_ref, et_ref, nf_ref, Wp_ref, bp_ref,
            mW0_ref, h_ref, hW_ref, Et_ref, gs_ref, gd_ref, *, MAXN):
    b = pl.program_id(0)
    n = nn_ref[b]
    MAXE = src_ref.shape[2]
    NC = MAXE // ECH

    h = _dot(nf_ref[0], Wp_ref[...], 1, 1) + bp_ref[0]
    h_ref[0] = h
    hW_ref[0] = _dot(h, mW0_ref[...], 1, 1)

    src = src_ref[0, 0]
    dst = dst_ref[0, 0]
    emask = (src < n) & (dst < n)
    local = b - (b // 4) * 4
    gs_ref[0, 0] = src + b * MAXN
    gd_ref[0, 0] = jnp.where(emask, dst + local * MAXN, 4 * MAXN)

    iota_t = lax.broadcasted_iota(jnp.int32, (ECH, NETP), 1)
    iota_n = lax.broadcasted_iota(jnp.int32, (ECH, MAXN), 1)

    def chunk(c, carry):
        off, acc = carry
        off = pl.multiple_of(off, ECH)
        d = dst_ref[0, 0, pl.ds(off, ECH)].reshape(ECH, 1)
        s = src_ref[0, 0, pl.ds(off, ECH)].reshape(ECH, 1)
        t = et_ref[0, 0, pl.ds(off, ECH)].reshape(ECH, 1)
        em = (s < n) & (d < n)
        ohd = ((d == iota_n) & em).astype(jnp.float32)
        oht = (t == iota_t).astype(jnp.float32)
        return off + ECH, acc + _dot(ohd, oht, 0, 0)

    _, Et = lax.fori_loop(0, NC, chunk,
                          (jnp.int32(0), jnp.zeros((MAXN, NETP), jnp.float32)))
    Et_ref[0] = Et



def _sc_messages(hW_flat, gsrc2d, gdst2d, zrows, *, MAXN, DH):
    NROW = gsrc2d.shape[0]
    NCH = NROW // (NSC * NSUB)
    LROW = 4 * MAXN
    ZPT = LROW // NSUB + K
    mesh = plsc.VectorSubcoreMesh(core_axis_name="c", subcore_axis_name="s")

    NG = NCH

    @functools.partial(
        pl.kernel, mesh=mesh,
        out_type=jax.ShapeDtypeStruct((NSC * LROW, DH), jnp.float32),
        scratch_types=[
            pltpu.VMEM((K, DH), jnp.float32),
            pltpu.VMEM((K, DH), jnp.float32),
            pltpu.VMEM((NCH, K), jnp.int32),
            pltpu.VMEM((NCH, K), jnp.int32),
            pltpu.VMEM_SHARED((LROW + NSUB * K, DH), jnp.float32),
            pltpu.SemaphoreType.DMA,
            pltpu.SemaphoreType.DMA,
        ],
    )
    def k(hW, gsrc, gdst, zr, out, bufa, bufb, isrc, idst, msgs, sema, semb):
        c = lax.axis_index("c")
        s = lax.axis_index("s")
        row0 = (c * NSUB + s) * NCH
        pltpu.sync_copy(gsrc.at[pl.ds(row0, NCH)], isrc)
        pltpu.sync_copy(gdst.at[pl.ds(row0, NCH)], idst)
        nz = ZPT // K
        for z in range(nz):
            pltpu.sync_copy(zr, msgs.at[pl.ds(s * ZPT + z * K, K)])
        plsc.subcore_barrier()

        def gath(g, buf, sem):
            return pltpu.make_async_copy(hW.at[isrc.at[g]], buf, sem)

        def scat(g, buf):
            pltpu.sync_copy(buf, msgs.at[idst.at[g]], add=True)

        gath(0, bufa, sema).start()

        def body(i, carry):
            g0 = 2 * i
            gath(g0 + 1, bufb, semb).start()
            gath(g0, bufa, sema).wait()
            scat(g0, bufa)

            @pl.when(g0 + 2 < NG)
            def _():
                gath(g0 + 2, bufa, sema).start()

            gath(g0 + 1, bufb, semb).wait()
            scat(g0 + 1, bufb)
            return carry

        lax.fori_loop(0, NG // 2, body, jnp.int32(0))
        plsc.subcore_barrier()
        wpt = LROW // NSUB
        pltpu.sync_copy(msgs.at[pl.ds(s * wpt, wpt)],
                        out.at[pl.ds(c * LROW + s * wpt, wpt)])

    return k(hW_flat, gsrc2d, gdst2d, zrows)



def _d_body(nn_ref, h_ref, ms_ref, Et_ref, tab_ref, mb_ref, Wih_ref, bih_ref,
            Whh_ref, bhh_ref, mWn_ref, hn_ref, hWn_ref, *, MAXN, last):
    b = pl.program_id(0)
    n = nn_ref[b]
    DH = h_ref.shape[2]

    h = h_ref[0]
    Et = Et_ref[0]
    deg = jnp.sum(Et, axis=1, keepdims=True)
    he = jnp.sum(deg) > 0.5
    x = ms_ref[0] + _dot(Et, tab_ref[...], 1, 0) + deg * mb_ref[0]

    gi = _dot(x, Wih_ref[...], 1, 1) + bih_ref[0]
    gh = _dot(h, Whh_ref[...], 1, 1) + bhh_ref[0]
    r = jax.nn.sigmoid(gi[:, :DH] + gh[:, :DH])
    z = jax.nn.sigmoid(gi[:, DH:2 * DH] + gh[:, DH:2 * DH])
    ng = jnp.tanh(gi[:, 2 * DH:] + r * gh[:, 2 * DH:])
    gout = (1.0 - z) * ng + z * h

    valid = lax.broadcasted_iota(jnp.int32, (MAXN, 1), 0) < n
    hn = jnp.where(valid & he, gout, h)
    if last:
        hn_ref[0, 0] = jnp.sum(jnp.where(valid, hn, 0.0), axis=0)
    else:
        hn_ref[0] = hn
        hWn_ref[0] = _dot(hn, mWn_ref[...], 1, 1)


def _run(node_features, edge_index, edge_type, num_nodes, W_proj, b_proj,
         msg_W, msg_b, edge_tab, gru_Wih, gru_bih, gru_Whh, gru_bhh):
    B, MAXN, DF = node_features.shape
    L, DH, _ = msg_W.shape
    MAXE = edge_index.shape[2]

    src = edge_index[:, 0, :].reshape(B, 1, MAXE)
    dst = edge_index[:, 1, :].reshape(B, 1, MAXE)
    net = edge_tab.shape[1] - 1
    et = jnp.clip(edge_type, 0, net).reshape(B, 1, MAXE)
    tab = jnp.pad(edge_tab.astype(jnp.float32),
                  ((0, 0), (0, NETP - edge_tab.shape[1]), (0, 0)))
    nn = num_nodes.astype(jnp.int32)
    f32 = lambda a: a.astype(jnp.float32)

    full = lambda a: pl.BlockSpec(a.shape, lambda b: (0,) * a.ndim)
    smem = pl.BlockSpec(memory_space=pltpu.SMEM)
    eblk = pl.BlockSpec((1, 1, MAXE), lambda b: (b, 0, 0))
    nblk = pl.BlockSpec((1, MAXN, DH), lambda b: (b, 0, 0))

    h, hW, Et, gs, gd = pl.pallas_call(
        functools.partial(_a_body, MAXN=MAXN),
        grid=(B,),
        in_specs=[smem, eblk, eblk, eblk,
                  pl.BlockSpec((1, MAXN, DF), lambda b: (b, 0, 0)),
                  full(W_proj), pl.BlockSpec((1, DH), lambda b: (0, 0)),
                  full(msg_W[0])],
        out_specs=[nblk, nblk,
                   pl.BlockSpec((1, MAXN, NETP), lambda b: (b, 0, 0)),
                   eblk, eblk],
        out_shape=[jax.ShapeDtypeStruct((B, MAXN, DH), jnp.float32),
                   jax.ShapeDtypeStruct((B, MAXN, DH), jnp.float32),
                   jax.ShapeDtypeStruct((B, MAXN, NETP), jnp.float32),
                   jax.ShapeDtypeStruct((B, 1, MAXE), jnp.int32),
                   jax.ShapeDtypeStruct((B, 1, MAXE), jnp.int32)],
    )(nn, src, dst, et, f32(node_features), f32(W_proj),
      f32(b_proj).reshape(1, DH), f32(msg_W[0]))

    gs2 = gs.reshape(B * MAXE // K, K)
    gd2 = gd.reshape(B * MAXE // K, K)
    zrows = jnp.zeros((K, DH), jnp.float32)

    for l in range(L):
        last = l == L - 1
        msgs = _sc_messages(hW.reshape(B * MAXN, DH), gs2, gd2, zrows,
                            MAXN=MAXN, DH=DH).reshape(B, MAXN, DH)
        mWn = f32(msg_W[(l + 1) % L])
        if last:
            outs = [pl.BlockSpec((1, 1, DH), lambda b: (b, 0, 0)),
                    pl.BlockSpec((1, 1, DH), lambda b: (b, 0, 0))]
            oshape = [jax.ShapeDtypeStruct((B, 1, DH), jnp.float32),
                      jax.ShapeDtypeStruct((B, 1, DH), jnp.float32)]
        else:
            outs = [nblk, nblk]
            oshape = [jax.ShapeDtypeStruct((B, MAXN, DH), jnp.float32),
                      jax.ShapeDtypeStruct((B, MAXN, DH), jnp.float32)]
        h, hW = pl.pallas_call(
            functools.partial(_d_body, MAXN=MAXN, last=last),
            grid=(B,),
            in_specs=[smem, nblk, nblk,
                      pl.BlockSpec((1, MAXN, NETP), lambda b: (b, 0, 0)),
                      full(tab[l]), pl.BlockSpec((1, DH), lambda b: (0, 0)),
                      full(gru_Wih[l]), pl.BlockSpec((1, 3 * DH), lambda b: (0, 0)),
                      full(gru_Whh[l]), pl.BlockSpec((1, 3 * DH), lambda b: (0, 0)),
                      full(mWn)],
            out_specs=outs,
            out_shape=oshape,
        )(nn, h, msgs, Et, tab[l], f32(msg_b[l]).reshape(1, DH),
          f32(gru_Wih[l]), f32(gru_bih[l]).reshape(1, 3 * DH),
          f32(gru_Whh[l]), f32(gru_bhh[l]).reshape(1, 3 * DH), mWn)

    return h.reshape(B, DH)


def kernel(node_features, edge_index, edge_type, num_nodes, W_proj, b_proj,
           msg_W, msg_b, edge_tab, gru_Wih, gru_bih, gru_Whh, gru_bhh):
    edge_index = edge_index.astype(jnp.int32)
    edge_type = edge_type.astype(jnp.int32)
    num_nodes = num_nodes.astype(jnp.int32)
    with jax.enable_x64(False):
        out = _run(node_features, edge_index, edge_type, num_nodes, W_proj,
                   b_proj, msg_W, msg_b, edge_tab, gru_Wih, gru_bih,
                   gru_Whh, gru_bhh)
    return out.astype(jnp.float64)

# --- scband reference (transcript-rebuilt; emitter-appended) ---
"""Pipeline reference for scband-batch-ggnnencoder-16063177687561 (READ-ONLY COPY).

The authoritative reference and input builder live on the scoring server;
editing this copy changes nothing except your own understanding.
"""

import jax, jax.numpy as jnp
import numpy as np
jax.config.update("jax_enable_x64", True)

B, MAXN, MAXE = 8, 2048, 32768
DF, DH, L, NET = 128, 128, 3, 8


def setup_inputs(seed: int = 0):
    key = jax.random.key(seed)
    ks = jax.random.split(key, 14)
    s = 1.0 / np.sqrt(DH)
    inp = {}
    inp["node_features"] = jax.random.normal(ks[0], (B, MAXN, DF), dtype=jnp.float32)
    inp["edge_index"] = jax.random.randint(ks[1], (B, 2, MAXE), 0, MAXN, dtype=jnp.int64)
    inp["edge_type"] = jax.random.randint(ks[2], (B, MAXE), 0, NET + 1, dtype=jnp.int64)
    inp["num_nodes"] = jax.random.randint(ks[3], (B,), 0, MAXN, dtype=jnp.int64)
    inp["W_proj"] = (jax.random.normal(ks[4], (DH, DF), dtype=jnp.float32) / np.sqrt(DF)).astype(jnp.float32)
    inp["b_proj"] = jnp.zeros((DH,), dtype=jnp.float32)
    inp["msg_W"] = jax.random.normal(ks[5], (L, DH, DH), dtype=jnp.float32) * s
    inp["msg_b"] = jnp.zeros((L, DH), dtype=jnp.float32)
    inp["edge_tab"] = jax.random.normal(ks[6], (L, NET + 1, DH), dtype=jnp.float32) * s
    inp["gru_Wih"] = jax.random.normal(ks[7], (L, 3 * DH, DH), dtype=jnp.float32) * s
    inp["gru_bih"] = jnp.zeros((L, 3 * DH), dtype=jnp.float32)
    inp["gru_Whh"] = jax.random.normal(ks[8], (L, 3 * DH, DH), dtype=jnp.float32) * s
    inp["gru_bhh"] = jnp.zeros((L, 3 * DH), dtype=jnp.float32)
    return inp


def _gru(x, h, Wih, bih, Whh, bhh):
    gi = x @ Wih.T + bih
    gh = h @ Whh.T + bhh
    i_r, i_z, i_n = jnp.split(gi, 3, axis=-1)
    h_r, h_z, h_n = jnp.split(gh, 3, axis=-1)
    r = jax.nn.sigmoid(i_r + h_r)
    z = jax.nn.sigmoid(i_z + h_z)
    ng = jnp.tanh(i_n + r * h_n)
    return (1.0 - z) * ng + z * h


def _forward(node_features, W_proj, b_proj, msg_W, msg_b, edge_tab, gru_Wih, gru_bih, gru_Whh, gru_bhh, edge_index, edge_type, num_nodes):
    # input_proj
    h = node_features @ W_proj.T + b_proj  # [B, MAXN, DH]
    node_idx = jnp.arange(MAXN)
    n = num_nodes
    valid_node = node_idx[None, :] < n[:, None]  # [B, MAXN]
    src = edge_index[:, 0, :]  # [B, MAXE]
    dst = edge_index[:, 1, :]
    # edges kept only if both endpoints < num_nodes (as in the torch mask)
    edge_mask = (src < n[:, None]) & (dst < n[:, None])
    has_edges = jnp.any(edge_mask, axis=1)  # [B]
    et = jnp.clip(edge_type, 0, NET)

    def scatter(d, m):
        return jnp.zeros((MAXN, DH), jnp.float32).at[d].add(m)

    for l in range(L):
        src_h = jnp.take_along_axis(h, src[:, :, None], axis=1)  # gather [B, MAXE, DH]
        msg = src_h @ msg_W[l].T + msg_b[l] + edge_tab[l][et]
        msg = jnp.where(edge_mask[:, :, None], msg, 0.0)
        messages = jax.vmap(scatter)(dst, msg)  # scatter-add [B, MAXN, DH]
        gru_out = _gru(messages, h, gru_Wih[l], gru_bih[l], gru_Whh[l], gru_bhh[l])
        # torch: only rows < num_nodes are updated, and only when the graph had >=1 valid edge
        upd = valid_node & has_edges[:, None]
        h = jnp.where(upd[:, :, None], gru_out, h)
    # dropout p=0.0 -> identity; graph embedding = sum over valid nodes
    return jnp.sum(jnp.where(valid_node[:, :, None], h, 0.0), axis=1)  # [B, DH]


def reference(node_features, edge_index, edge_type, num_nodes, W_proj, b_proj, msg_W, msg_b, edge_tab, gru_Wih, gru_bih, gru_Whh, gru_bhh):
    return _forward(node_features, W_proj, b_proj, msg_W, msg_b, edge_tab, gru_Wih, gru_bih, gru_Whh, gru_bhh, edge_index, edge_type, num_nodes)

if __name__ == "__main__":
    import jax
    _d = setup_inputs()
    print(jax.jit(kernel)(*tuple(_d.values())))

</pallas_src>

<mosaic_0001>
#map = affine_map<(d0, d1) -> (0, 0)>
module attributes {stable_mosaic.version = 14 : i64} {
  func.func @k(%arg0: i32, %arg1: i32, %arg2: memref<16384x128xf32, #tpu.memory_space<hbm>>, %arg3: memref<2048x128xi32, #tpu.memory_space<hbm>>, %arg4: memref<2048x128xi32, #tpu.memory_space<hbm>>, %arg5: memref<128x128xf32, #tpu.memory_space<hbm>>, %arg6: memref<16384x128xf32, #tpu.memory_space<hbm>>, %arg7: memref<128x128xf32, #tpu.memory_space<vmem>>, %arg8: memref<128x128xf32, #tpu.memory_space<vmem>>, %arg9: memref<64x128xi32, #tpu.memory_space<vmem>>, %arg10: memref<64x128xi32, #tpu.memory_space<vmem>>, %arg11: memref<10240x128xf32, #tpu.memory_space<vmem_shared>>, %arg12: memref<!tpu.dma_semaphore, #tpu.memory_space<semaphore_mem>>, %arg13: memref<!tpu.dma_semaphore, #tpu.memory_space<semaphore_mem>>) attributes {dimension_semantics = [#tpu.dimension_semantics<core_parallel>, #tpu.dimension_semantics<subcore_parallel>], iteration_bounds = array<i64: 2, 16>, scalar_prefetch = 0 : i64, scratch_operands = 7 : i64, tpu.core_type = #tpu.core_type<sc_vector_subcore>, window_params = [{transform_indices = #map}, {transform_indices = #map}, {transform_indices = #map}, {transform_indices = #map}, {transform_indices = #map}]} {
    %mul3A = arith.constant 16 : i32
    %mul3A_0 = arith.muli %arg0, %mul3A : i32
    %add3A = arith.addi %mul3A_0, %arg1 : i32
    %mul3A_1 = arith.constant 64 : i32
    %mul3A_2 = arith.muli %add3A, %mul3A_1 : i32
    "tpu.region"() ({
      %run_scoped3A = tpu.sem_alloc : memref<!tpu.dma_semaphore, #tpu.memory_space<semaphore_mem>>
      %dma_start3A_42 = arith.constant 0 : i32
      %dma_start3A_43 = tpu.memref_slice %arg3[%mul3A_2, %dma_start3A_42] : memref<2048x128xi32, #tpu.memory_space<hbm>> -> memref<64x128xi32, #tpu.memory_space<hbm>>
      %dma_start3A_44 = arith.constant 0 : i32
      %dma_start3A_45 = tpu.memref_slice %arg3[%mul3A_2, %dma_start3A_44] : memref<2048x128xi32, #tpu.memory_space<hbm>> -> memref<64x128xi32, #tpu.memory_space<hbm>>
      tpu.enqueue_dma source(%dma_start3A_45 : memref<64x128xi32, #tpu.memory_space<hbm>>) target(%arg9 : memref<64x128xi32, #tpu.memory_space<vmem>>) target_semaphore(%run_scoped3A : memref<!tpu.dma_semaphore, #tpu.memory_space<semaphore_mem>>)
      %dma_wait3A = arith.constant 0 : i32
      %dma_wait3A_46 = tpu.memref_slice %arg3[%mul3A_2, %dma_wait3A] : memref<2048x128xi32, #tpu.memory_space<hbm>> -> memref<64x128xi32, #tpu.memory_space<hbm>>
      %dma_wait3A_47 = arith.constant 0 : i32
      %dma_wait3A_48 = tpu.memref_slice %arg3[%mul3A_2, %dma_wait3A_47] : memref<2048x128xi32, #tpu.memory_space<hbm>> -> memref<64x128xi32, #tpu.memory_space<hbm>>
      tpu.wait_dma2 semaphore(%run_scoped3A : memref<!tpu.dma_semaphore, #tpu.memory_space<semaphore_mem>>) src(%dma_wait3A_48 : memref<64x128xi32, #tpu.memory_space<hbm>>) dst(%arg9 : memref<64x128xi32, #tpu.memory_space<vmem>>)
      tpu.yield
    }) : () -> ()
    "tpu.region"() ({
      %run_scoped3A = tpu.sem_alloc : memref<!tpu.dma_semaphore, #tpu.memory_space<semaphore_mem>>
      %dma_start3A_42 = arith.constant 0 : i32
      %dma_start3A_43 = tpu.memref_slice %arg4[%mul3A_2, %dma_start3A_42] : memref<2048x128xi32, #tpu.memory_space<hbm>> -> memref<64x128xi32, #tpu.memory_space<hbm>>
      %dma_start3A_44 = arith.constant 0 : i32
      %dma_start3A_45 = tpu.memref_slice %arg4[%mul3A_2, %dma_start3A_44] : memref<2048x128xi32, #tpu.memory_space<hbm>> -> memref<64x128xi32, #tpu.memory_space<hbm>>
      tpu.enqueue_dma source(%dma_start3A_45 : memref<64x128xi32, #tpu.memory_space<hbm>>) target(%arg10 : memref<64x128xi32, #tpu.memory_space<vmem>>) target_semaphore(%run_scoped3A : memref<!tpu.dma_semaphore, #tpu.memory_space<semaphore_mem>>)
      %dma_wait3A = arith.constant 0 : i32
      %dma_wait3A_46 = tpu.memref_slice %arg4[%mul3A_2, %dma_wait3A] : memref<2048x128xi32, #tpu.memory_space<hbm>> -> memref<64x128xi32, #tpu.memory_space<hbm>>
      %dma_wait3A_47 = arith.constant 0 : i32
      %dma_wait3A_48 = tpu.memref_slice %arg4[%mul3A_2, %dma_wait3A_47] : memref<2048x128xi32, #tpu.memory_space<hbm>> -> memref<64x128xi32, #tpu.memory_space<hbm>>
      tpu.wait_dma2 semaphore(%run_scoped3A : memref<!tpu.dma_semaphore, #tpu.memory_space<semaphore_mem>>) src(%dma_wait3A_48 : memref<64x128xi32, #tpu.memory_space<hbm>>) dst(%arg10 : memref<64x128xi32, #tpu.memory_space<vmem>>)
      tpu.yield
    }) : () -> ()
    %mul3A_3 = arith.constant 640 : i32
    %mul3A_4 = arith.muli %arg1, %mul3A_3 : i32
    %add3A_5 = arith.constant 0 : i32
    %add3A_6 = arith.addi %mul3A_4, %add3A_5 : i32
    "tpu.region"() ({
      %run_scoped3A = tpu.sem_alloc : memref<!tpu.dma_semaphore, #tpu.memory_space<semaphore_mem>>
      %dma_start3A_42 = arith.constant 0 : i32
      %dma_start3A_43 = tpu.memref_slice %arg11[%add3A_6, %dma_start3A_42] : memref<10240x128xf32, #tpu.memory_space<vmem_shared>> -> memref<128x128xf32, #tpu.memory_space<vmem_shared>>
      tpu.enqueue_dma source(%arg5 : memref<128x128xf32, #tpu.memory_space<hbm>>) target(%dma_start3A_43 : memref<128x128xf32, #tpu.memory_space<vmem_shared>>) target_semaphore(%run_scoped3A : memref<!tpu.dma_semaphore, #tpu.memory_space<semaphore_mem>>)
      %dma_wait3A = arith.constant 0 : i32
      %dma_wait3A_44 = tpu.memref_slice %arg11[%add3A_6, %dma_wait3A] : memref<10240x128xf32, #tpu.memory_space<vmem_shared>> -> memref<128x128xf32, #tpu.memory_space<vmem_shared>>
      tpu.wait_dma2 semaphore(%run_scoped3A : memref<!tpu.dma_semaphore, #tpu.memory_space<semaphore_mem>>) src(%arg5 : memref<128x128xf32, #tpu.memory_space<hbm>>) dst(%dma_wait3A_44 : memref<128x128xf32, #tpu.memory_space<vmem_shared>>)
      tpu.yield
    }) : () -> ()
    %mul3A_7 = arith.constant 640 : i32
    %mul3A_8 = arith.muli %arg1, %mul3A_7 : i32
    %add3A_9 = arith.constant 128 : i32
    %add3A_10 = arith.addi %mul3A_8, %add3A_9 : i32
    "tpu.region"() ({
      %run_scoped3A = tpu.sem_alloc : memref<!tpu.dma_semaphore, #tpu.memory_space<semaphore_mem>>
      %dma_start3A_42 = arith.constant 0 : i32
      %dma_start3A_43 = tpu.memref_slice %arg11[%add3A_10, %dma_start3A_42] : memref<10240x128xf32, #tpu.memory_space<vmem_shared>> -> memref<128x128xf32, #tpu.memory_space<vmem_shared>>
      tpu.enqueue_dma source(%arg5 : memref<128x128xf32, #tpu.memory_space<hbm>>) target(%dma_start3A_43 : memref<128x128xf32, #tpu.memory_space<vmem_shared>>) target_semaphore(%run_scoped3A : memref<!tpu.dma_semaphore, #tpu.memory_space<semaphore_mem>>)
      %dma_wait3A = arith.constant 0 : i32
      %dma_wait3A_44 = tpu.memref_slice %arg11[%add3A_10, %dma_wait3A] : memref<10240x128xf32, #tpu.memory_space<vmem_shared>> -> memref<128x128xf32, #tpu.memory_space<vmem_shared>>
      tpu.wait_dma2 semaphore(%run_scoped3A : memref<!tpu.dma_semaphore, #tpu.memory_space<semaphore_mem>>) src(%arg5 : memref<128x128xf32, #tpu.memory_space<hbm>>) dst(%dma_wait3A_44 : memref<128x128xf32, #tpu.memory_space<vmem_shared>>)
      tpu.yield
    }) : () -> ()
    %mul3A_11 = arith.constant 640 : i32
    %mul3A_12 = arith.muli %arg1, %mul3A_11 : i32
    %add3A_13 = arith.constant 256 : i32
    %add3A_14 = arith.addi %mul3A_12, %add3A_13 : i32
    "tpu.region"() ({
      %run_scoped3A = tpu.sem_alloc : memref<!tpu.dma_semaphore, #tpu.memory_space<semaphore_mem>>
      %dma_start3A_42 = arith.constant 0 : i32
      %dma_start3A_43 = tpu.memref_slice %arg11[%add3A_14, %dma_start3A_42] : memref<10240x128xf32, #tpu.memory_space<vmem_shared>> -> memref<128x128xf32, #tpu.memory_space<vmem_shared>>
      tpu.enqueue_dma source(%arg5 : memref<128x128xf32, #tpu.memory_space<hbm>>) target(%dma_start3A_43 : memref<128x128xf32, #tpu.memory_space<vmem_shared>>) target_semaphore(%run_scoped3A : memref<!tpu.dma_semaphore, #tpu.memory_space<semaphore_mem>>)
      %dma_wait3A = arith.constant 0 : i32
      %dma_wait3A_44 = tpu.memref_slice %arg11[%add3A_14, %dma_wait3A] : memref<10240x128xf32, #tpu.memory_space<vmem_shared>> -> memref<128x128xf32, #tpu.memory_space<vmem_shared>>
      tpu.wait_dma2 semaphore(%run_scoped3A : memref<!tpu.dma_semaphore, #tpu.memory_space<semaphore_mem>>) src(%arg5 : memref<128x128xf32, #tpu.memory_space<hbm>>) dst(%dma_wait3A_44 : memref<128x128xf32, #tpu.memory_space<vmem_shared>>)
      tpu.yield
    }) : () -> ()
    %mul3A_15 = arith.constant 640 : i32
    %mul3A_16 = arith.muli %arg1, %mul3A_15 : i32
    %add3A_17 = arith.constant 384 : i32
    %add3A_18 = arith.addi %mul3A_16, %add3A_17 : i32
    "tpu.region"() ({
      %run_scoped3A = tpu.sem_alloc : memref<!tpu.dma_semaphore, #tpu.memory_space<semaphore_mem>>
      %dma_start3A_42 = arith.constant 0 : i32
      %dma_start3A_43 = tpu.memref_slice %arg11[%add3A_18, %dma_start3A_42] : memref<10240x128xf32, #tpu.memory_space<vmem_shared>> -> memref<128x128xf32, #tpu.memory_space<vmem_shared>>
      tpu.enqueue_dma source(%arg5 : memref<128x128xf32, #tpu.memory_space<hbm>>) target(%dma_start3A_43 : memref<128x128xf32, #tpu.memory_space<vmem_shared>>) target_semaphore(%run_scoped3A : memref<!tpu.dma_semaphore, #tpu.memory_space<semaphore_mem>>)
      %dma_wait3A = arith.constant 0 : i32
      %dma_wait3A_44 = tpu.memref_slice %arg11[%add3A_18, %dma_wait3A] : memref<10240x128xf32, #tpu.memory_space<vmem_shared>> -> memref<128x128xf32, #tpu.memory_space<vmem_shared>>
      tpu.wait_dma2 semaphore(%run_scoped3A : memref<!tpu.dma_semaphore, #tpu.memory_space<semaphore_mem>>) src(%arg5 : memref<128x128xf32, #tpu.memory_space<hbm>>) dst(%dma_wait3A_44 : memref<128x128xf32, #tpu.memory_space<vmem_shared>>)
      tpu.yield
    }) : () -> ()
    %mul3A_19 = arith.constant 640 : i32
    %mul3A_20 = arith.muli %arg1, %mul3A_19 : i32
    %add3A_21 = arith.constant 512 : i32
    %add3A_22 = arith.addi %mul3A_20, %add3A_21 : i32
    "tpu.region"() ({
      %run_scoped3A = tpu.sem_alloc : memref<!tpu.dma_semaphore, #tpu.memory_space<semaphore_mem>>
      %dma_start3A_42 = arith.constant 0 : i32
      %dma_start3A_43 = tpu.memref_slice %arg11[%add3A_22, %dma_start3A_42] : memref<10240x128xf32, #tpu.memory_space<vmem_shared>> -> memref<128x128xf32, #tpu.memory_space<vmem_shared>>
      tpu.enqueue_dma source(%arg5 : memref<128x128xf32, #tpu.memory_space<hbm>>) target(%dma_start3A_43 : memref<128x128xf32, #tpu.memory_space<vmem_shared>>) target_semaphore(%run_scoped3A : memref<!tpu.dma_semaphore, #tpu.memory_space<semaphore_mem>>)
      %dma_wait3A = arith.constant 0 : i32
      %dma_wait3A_44 = tpu.memref_slice %arg11[%add3A_22, %dma_wait3A] : memref<10240x128xf32, #tpu.memory_space<vmem_shared>> -> memref<128x128xf32, #tpu.memory_space<vmem_shared>>
      tpu.wait_dma2 semaphore(%run_scoped3A : memref<!tpu.dma_semaphore, #tpu.memory_space<semaphore_mem>>) src(%arg5 : memref<128x128xf32, #tpu.memory_space<hbm>>) dst(%dma_wait3A_44 : memref<128x128xf32, #tpu.memory_space<vmem_shared>>)
      tpu.yield
    }) : () -> ()
    %barrier3A = arith.constant 0 : index
    tpu.barrier barrier_id(%barrier3A)
    %dma_start3A = arith.constant 0 : i32
    %dma_start3A_23 = arith.constant 0 : i32
    %dma_start3A_24 = tpu.memref_slice %arg9[%dma_start3A, %dma_start3A_23] : memref<64x128xi32, #tpu.memory_space<vmem>> -> memref<1x128xi32, #tpu.memory_space<vmem>>
    %dma_start3A_25 = tpu.memref_squeeze %dma_start3A_24 : memref<1x128xi32, #tpu.memory_space<vmem>> -> memref<128xi32, #tpu.memory_space<vmem>>
    %dma_start3A_26 = arith.constant 0 : i32
    %dma_start3A_27 = arith.constant 0 : i32
    %dma_start3A_28 = tpu.memref_slice %arg2[%dma_start3A_26, %dma_start3A_27] : memref<16384x128xf32, #tpu.memory_space<hbm>> -> memref<16384x128xf32, #tpu.memory_space<hbm>>
    tpu.enqueue_indirect_dma source(%dma_start3A_28 : memref<16384x128xf32, #tpu.memory_space<hbm>>) target(%arg7 : memref<128x128xf32, #tpu.memory_space<vmem>>) offsets(%dma_start3A_25 : memref<128xi32, #tpu.memory_space<vmem>>) semaphore(%arg12 : memref<!tpu.dma_semaphore, #tpu.memory_space<semaphore_mem>>)
    %scan3A = arith.constant 0 : i32
    %scan3A_29 = arith.constant 0 : i32
    %scan3A_30 = arith.constant 32 : i32
    %scan3A_31 = arith.addi %scan3A_29, %scan3A_30 : i32
    %scan3A_32 = arith.constant 1 : i32
    scf.for %scan3A_42 = %scan3A_29 to %scan3A_31 step %scan3A_32  : i32 {
      %mul3A_43 = arith.constant 2 : i32
      %mul3A_44 = arith.muli %mul3A_43, %scan3A_42 : i32
      %add3A_45 = arith.constant 1 : i32
      %add3A_46 = arith.addi %mul3A_44, %add3A_45 : i32
      %dma_start3A_47 = arith.constant 0 : i32
      %dma_start3A_48 = tpu.memref_slice %arg9[%add3A_46, %dma_start3A_47] : memref<64x128xi32, #tpu.memory_space<vmem>> -> memref<1x128xi32, #tpu.memory_space<vmem>>
      %dma_start3A_49 = tpu.memref_squeeze %dma_start3A_48 : memref<1x128xi32, #tpu.memory_space<vmem>> -> memref<128xi32, #tpu.memory_space<vmem>>
      %dma_start3A_50 = arith.constant 0 : i32
      %dma_start3A_51 = arith.constant 0 : i32
      %dma_start3A_52 = tpu.memref_slice %arg2[%dma_start3A_50, %dma_start3A_51] : memref<16384x128xf32, #tpu.memory_space<hbm>> -> memref<16384x128xf32, #tpu.memory_space<hbm>>
      tpu.enqueue_indirect_dma source(%dma_start3A_52 : memref<16384x128xf32, #tpu.memory_space<hbm>>) target(%arg8 : memref<128x128xf32, #tpu.memory_space<vmem>>) offsets(%dma_start3A_49 : memref<128xi32, #tpu.memory_space<vmem>>) semaphore(%arg13 : memref<!tpu.dma_semaphore, #tpu.memory_space<semaphore_mem>>)
      %dma_wait3A = arith.constant 0 : i32
      %dma_wait3A_53 = tpu.memref_slice %arg9[%mul3A_44, %dma_wait3A] : memref<64x128xi32, #tpu.memory_space<vmem>> -> memref<1x128xi32, #tpu.memory_space<vmem>>
      %dma_wait3A_54 = tpu.memref_squeeze %dma_wait3A_53 : memref<1x128xi32, #tpu.memory_space<vmem>> -> memref<128xi32, #tpu.memory_space<vmem>>
      %dma_wait3A_55 = arith.constant 0 : i32
      %dma_wait3A_56 = arith.constant 0 : i32
      %dma_wait3A_57 = tpu.memref_slice %arg2[%dma_wait3A_55, %dma_wait3A_56] : memref<16384x128xf32, #tpu.memory_space<hbm>> -> memref<16384x128xf32, #tpu.memory_space<hbm>>
      tpu.wait_indirect_dma semaphore(%arg12 : memref<!tpu.dma_semaphore, #tpu.memory_space<semaphore_mem>>) src(%dma_wait3A_57 : memref<16384x128xf32, #tpu.memory_space<hbm>>) dst(%arg7 : memref<128x128xf32, #tpu.memory_space<vmem>>)
      "tpu.region"() ({
        %run_scoped3A = tpu.sem_alloc : memref<!tpu.dma_semaphore, #tpu.memory_space<semaphore_mem>>
        %dma_start3A_72 = arith.constant 0 : i32
        %dma_start3A_73 = tpu.memref_slice %arg10[%mul3A_44, %dma_start3A_72] : memref<64x128xi32, #tpu.memory_space<vmem>> -> memref<1x128xi32, #tpu.memory_space<vmem>>
        %dma_start3A_74 = tpu.memref_squeeze %dma_start3A_73 : memref<1x128xi32, #tpu.memory_space<vmem>> -> memref<128xi32, #tpu.memory_space<vmem>>
        %dma_start3A_75 = arith.constant 0 : i32
        %dma_start3A_76 = arith.constant 0 : i32
        %dma_start3A_77 = tpu.memref_slice %arg11[%dma_start3A_75, %dma_start3A_76] : memref<10240x128xf32, #tpu.memory_space<vmem_shared>> -> memref<10240x128xf32, #tpu.memory_space<vmem_shared>>
        tpu.enqueue_indirect_dma source(%arg7 : memref<128x128xf32, #tpu.memory_space<vmem>>) target(%dma_start3A_77 : memref<10240x128xf32, #tpu.memory_space<vmem_shared>>) offsets(%dma_start3A_74 : memref<128xi32, #tpu.memory_space<vmem>>) semaphore(%run_scoped3A : memref<!tpu.dma_semaphore, #tpu.memory_space<semaphore_mem>>) {add = true}
        %dma_wait3A_78 = arith.constant 0 : i32
        %dma_wait3A_79 = tpu.memref_slice %arg10[%mul3A_44, %dma_wait3A_78] : memref<64x128xi32, #tpu.memory_space<vmem>> -> memref<1x128xi32, #tpu.memory_space<vmem>>
        %dma_wait3A_80 = tpu.memref_squeeze %dma_wait3A_79 : memref<1x128xi32, #tpu.memory_space<vmem>> -> memref<128xi32, #tpu.memory_space<vmem>>
        %dma_wait3A_81 = arith.constant 0 : i32
        %dma_wait3A_82 = arith.constant 0 : i32
        %dma_wait3A_83 = tpu.memref_slice %arg11[%dma_wait3A_81, %dma_wait3A_82] : memref<10240x128xf32, #tpu.memory_space<vmem_shared>> -> memref<10240x128xf32, #tpu.memory_space<vmem_shared>>
        tpu.wait_indirect_dma semaphore(%run_scoped3A : memref<!tpu.dma_semaphore, #tpu.memory_space<semaphore_mem>>) src(%arg7 : memref<128x128xf32, #tpu.memory_space<vmem>>) dst(%dma_wait3A_83 : memref<10240x128xf32, #tpu.memory_space<vmem_shared>>)
        tpu.yield
      }) : () -> ()
      %add3A_58 = arith.constant 2 : i32
      %add3A_59 = arith.addi %mul3A_44, %add3A_58 : i32
      %lt3A = arith.constant 64 : i32
      %lt3A_60 = arith.cmpi slt, %add3A_59, %lt3A : i32
      %convert_element_type3A = arith.extui %lt3A_60 : i1 to i32
      %cond3A = arith.constant 0 : i32
      %cond3A_61 = arith.cmpi ne, %convert_element_type3A, %cond3A : i32
      scf.if %cond3A_61 {
        %add3A_72 = arith.constant 2 : i32
        %add3A_73 = arith.addi %mul3A_44, %add3A_72 : i32
        %dma_start3A_74 = arith.constant 0 : i32
        %dma_start3A_75 = tpu.memref_slice %arg9[%add3A_73, %dma_start3A_74] : memref<64x128xi32, #tpu.memory_space<vmem>> -> memref<1x128xi32, #tpu.memory_space<vmem>>
        %dma_start3A_76 = tpu.memref_squeeze %dma_start3A_75 : memref<1x128xi32, #tpu.memory_space<vmem>> -> memref<128xi32, #tpu.memory_space<vmem>>
        %dma_start3A_77 = arith.constant 0 : i32
        %dma_start3A_78 = arith.constant 0 : i32
        %dma_start3A_79 = tpu.memref_slice %arg2[%dma_start3A_77, %dma_start3A_78] : memref<16384x128xf32, #tpu.memory_space<hbm>> -> memref<16384x128xf32, #tpu.memory_space<hbm>>
        tpu.enqueue_indirect_dma source(%dma_start3A_79 : memref<16384x128xf32, #tpu.memory_space<hbm>>) target(%arg7 : memref<128x128xf32, #tpu.memory_space<vmem>>) offsets(%dma_start3A_76 : memref<128xi32, #tpu.memory_space<vmem>>) semaphore(%arg12 : memref<!tpu.dma_semaphore, #tpu.memory_space<semaphore_mem>>)
      } else {
      }
      %add3A_62 = arith.constant 1 : i32
      %add3A_63 = arith.addi %mul3A_44, %add3A_62 : i32
      %dma_wait3A_64 = arith.constant 0 : i32
      %dma_wait3A_65 = tpu.memref_slice %arg9[%add3A_63, %dma_wait3A_64] : memref<64x128xi32, #tpu.memory_space<vmem>> -> memref<1x128xi32, #tpu.memory_space<vmem>>
      %dma_wait3A_66 = tpu.memref_squeeze %dma_wait3A_65 : memref<1x128xi32, #tpu.memory_space<vmem>> -> memref<128xi32, #tpu.memory_space<vmem>>
      %dma_wait3A_67 = arith.constant 0 : i32
      %dma_wait3A_68 = arith.constant 0 : i32
      %dma_wait3A_69 = tpu.memref_slice %arg2[%dma_wait3A_67, %dma_wait3A_68] : memref<16384x128xf32, #tpu.memory_space<hbm>> -> memref<16384x128xf32, #tpu.memory_space<hbm>>
      tpu.wait_indirect_dma semaphore(%arg13 : memref<!tpu.dma_semaphore, #tpu.memory_space<semaphore_mem>>) src(%dma_wait3A_69 : memref<16384x128xf32, #tpu.memory_space<hbm>>) dst(%arg8 : memref<128x128xf32, #tpu.memory_space<vmem>>)
      %add3A_70 = arith.constant 1 : i32
      %add3A_71 = arith.addi %mul3A_44, %add3A_70 : i32
      "tpu.region"() ({
        %run_scoped3A = tpu.sem_alloc : memref<!tpu.dma_semaphore, #tpu.memory_space<semaphore_mem>>
        %dma_start3A_72 = arith.constant 0 : i32
        %dma_start3A_73 = tpu.memref_slice %arg10[%add3A_71, %dma_start3A_72] : memref<64x128xi32, #tpu.memory_space<vmem>> -> memref<1x128xi32, #tpu.memory_space<vmem>>
        %dma_start3A_74 = tpu.memref_squeeze %dma_start3A_73 : memref<1x128xi32, #tpu.memory_space<vmem>> -> memref<128xi32, #tpu.memory_space<vmem>>
        %dma_start3A_75 = arith.constant 0 : i32
        %dma_start3A_76 = arith.constant 0 : i32
        %dma_start3A_77 = tpu.memref_slice %arg11[%dma_start3A_75, %dma_start3A_76] : memref<10240x128xf32, #tpu.memory_space<vmem_shared>> -> memref<10240x128xf32, #tpu.memory_space<vmem_shared>>
        tpu.enqueue_indirect_dma source(%arg8 : memref<128x128xf32, #tpu.memory_space<vmem>>) target(%dma_start3A_77 : memref<10240x128xf32, #tpu.memory_space<vmem_shared>>) offsets(%dma_start3A_74 : memref<128xi32, #tpu.memory_space<vmem>>) semaphore(%run_scoped3A : memref<!tpu.dma_semaphore, #tpu.memory_space<semaphore_mem>>) {add = true}
        %dma_wait3A_78 = arith.constant 0 : i32
        %dma_wait3A_79 = tpu.memref_slice %arg10[%add3A_71, %dma_wait3A_78] : memref<64x128xi32, #tpu.memory_space<vmem>> -> memref<1x128xi32, #tpu.memory_space<vmem>>
        %dma_wait3A_80 = tpu.memref_squeeze %dma_wait3A_79 : memref<1x128xi32, #tpu.memory_space<vmem>> -> memref<128xi32, #tpu.memory_space<vmem>>
        %dma_wait3A_81 = arith.constant 0 : i32
        %dma_wait3A_82 = arith.constant 0 : i32
        %dma_wait3A_83 = tpu.memref_slice %arg11[%dma_wait3A_81, %dma_wait3A_82] : memref<10240x128xf32, #tpu.memory_space<vmem_shared>> -> memref<10240x128xf32, #tpu.memory_space<vmem_shared>>
        tpu.wait_indirect_dma semaphore(%run_scoped3A : memref<!tpu.dma_semaphore, #tpu.memory_space<semaphore_mem>>) src(%arg8 : memref<128x128xf32, #tpu.memory_space<vmem>>) dst(%dma_wait3A_83 : memref<10240x128xf32, #tpu.memory_space<vmem_shared>>)
        tpu.yield
      }) : () -> ()
    }
    %scan3A_33 = arith.constant 32 : i32
    %barrier3A_34 = arith.constant 0 : index
    tpu.barrier barrier_id(%barrier3A_34)
    %mul3A_35 = arith.constant 512 : i32
    %mul3A_36 = arith.muli %arg1, %mul3A_35 : i32
    %mul3A_37 = arith.constant 8192 : i32
    %mul3A_38 = arith.muli %arg0, %mul3A_37 : i32
    %mul3A_39 = arith.constant 512 : i32
    %mul3A_40 = arith.muli %arg1, %mul3A_39 : i32
    %add3A_41 = arith.addi %mul3A_38, %mul3A_40 : i32
    "tpu.region"() ({
      %run_scoped3A = tpu.sem_alloc : memref<!tpu.dma_semaphore, #tpu.memory_space<semaphore_mem>>
      %dma_start3A_42 = arith.constant 0 : i32
      %dma_start3A_43 = tpu.memref_slice %arg6[%add3A_41, %dma_start3A_42] : memref<16384x128xf32, #tpu.memory_space<hbm>> -> memref<512x128xf32, #tpu.memory_space<hbm>>
      %dma_start3A_44 = arith.constant 0 : i32
      %dma_start3A_45 = tpu.memref_slice %arg11[%mul3A_36, %dma_start3A_44] : memref<10240x128xf32, #tpu.memory_space<vmem_shared>> -> memref<512x128xf32, #tpu.memory_space<vmem_shared>>
      tpu.enqueue_dma source(%dma_start3A_45 : memref<512x128xf32, #tpu.memory_space<vmem_shared>>) target(%dma_start3A_43 : memref<512x128xf32, #tpu.memory_space<hbm>>) target_semaphore(%run_scoped3A : memref<!tpu.dma_semaphore, #tpu.memory_space<semaphore_mem>>)
      %dma_wait3A = arith.constant 0 : i32
      %dma_wait3A_46 = tpu.memref_slice %arg6[%add3A_41, %dma_wait3A] : memref<16384x128xf32, #tpu.memory_space<hbm>> -> memref<512x128xf32, #tpu.memory_space<hbm>>
      %dma_wait3A_47 = arith.constant 0 : i32
      %dma_wait3A_48 = tpu.memref_slice %arg11[%mul3A_36, %dma_wait3A_47] : memref<10240x128xf32, #tpu.memory_space<vmem_shared>> -> memref<512x128xf32, #tpu.memory_space<vmem_shared>>
      tpu.wait_dma2 semaphore(%run_scoped3A : memref<!tpu.dma_semaphore, #tpu.memory_space<semaphore_mem>>) src(%dma_wait3A_48 : memref<512x128xf32, #tpu.memory_space<vmem_shared>>) dst(%dma_wait3A_46 : memref<512x128xf32, #tpu.memory_space<hbm>>)
      tpu.yield
    }) : () -> ()
    return
  }
}

#map = affine_map<(d0, d1) -> (0, 0)>
module attributes {stable_mosaic.version = 14 : i64} {
  func.func @k(%arg0: i32, %arg1: i32, %arg2: memref<16384x128xf32, #tpu.memory_space<hbm>>, %arg3: memref<2048x128xi32, #tpu.memory_space<hbm>>, %arg4: memref<2048x128xi32, #tpu.memory_space<hbm>>, %arg5: memref<128x128xf32, #tpu.memory_space<hbm>>, %arg6: memref<16384x128xf32, #tpu.memory_space<hbm>>, %arg7: memref<128x128xf32, #tpu.memory_space<vmem>>, %arg8: memref<128x128xf32, #tpu.memory_space<vmem>>, %arg9: memref<64x128xi32, #tpu.memory_space<vmem>>, %arg10: memref<64x128xi32, #tpu.memory_space<vmem>>, %arg11: memref<10240x128xf32, #tpu.memory_space<vmem_shared>>, %arg12: memref<!tpu.dma_semaphore, #tpu.memory_space<semaphore_mem>>, %arg13: memref<!tpu.dma_semaphore, #tpu.memory_space<semaphore_mem>>) attributes {dimension_semantics = [#tpu.dimension_semantics<core_parallel>, #tpu.dimension_semantics<subcore_parallel>], iteration_bounds = array<i64: 2, 16>, scalar_prefetch = 0 : i64, scratch_operands = 7 : i64, tpu.core_type = #tpu.core_type<sc_vector_subcore>, window_params = [{transform_indices = #map}, {transform_indices = #map}, {transform_indices = #map}, {transform_indices = #map}, {transform_indices = #map}]} {
    %mul3A = arith.constant 16 : i32
    %mul3A_0 = arith.muli %arg0, %mul3A : i32
    %add3A = arith.addi %mul3A_0, %arg1 : i32
    %mul3A_1 = arith.constant 64 : i32
    %mul3A_2 = arith.muli %add3A, %mul3A_1 : i32
    "tpu.region"() ({
      %run_scoped3A = tpu.sem_alloc : memref<!tpu.dma_semaphore, #tpu.memory_space<semaphore_mem>>
      %dma_start3A_42 = arith.constant 0 : i32
      %dma_start3A_43 = tpu.memref_slice %arg3[%mul3A_2, %dma_start3A_42] : memref<2048x128xi32, #tpu.memory_space<hbm>> -> memref<64x128xi32, #tpu.memory_space<hbm>>
      %dma_start3A_44 = arith.constant 0 : i32
      %dma_start3A_45 = tpu.memref_slice %arg3[%mul3A_2, %dma_start3A_44] : memref<2048x128xi32, #tpu.memory_space<hbm>> -> memref<64x128xi32, #tpu.memory_space<hbm>>
      tpu.enqueue_dma source(%dma_start3A_45 : memref<64x128xi32, #tpu.memory_space<hbm>>) target(%arg9 : memref<64x128xi32, #tpu.memory_space<vmem>>) target_semaphore(%run_scoped3A : memref<!tpu.dma_semaphore, #tpu.memory_space<semaphore_mem>>)
      %dma_wait3A = arith.constant 0 : i32
      %dma_wait3A_46 = tpu.memref_slice %arg3[%mul3A_2, %dma_wait3A] : memref<2048x128xi32, #tpu.memory_space<hbm>> -> memref<64x128xi32, #tpu.memory_space<hbm>>
      %dma_wait3A_47 = arith.constant 0 : i32
      %dma_wait3A_48 = tpu.memref_slice %arg3[%mul3A_2, %dma_wait3A_47] : memref<2048x128xi32, #tpu.memory_space<hbm>> -> memref<64x128xi32, #tpu.memory_space<hbm>>
      tpu.wait_dma2 semaphore(%run_scoped3A : memref<!tpu.dma_semaphore, #tpu.memory_space<semaphore_mem>>) src(%dma_wait3A_48 : memref<64x128xi32, #tpu.memory_space<hbm>>) dst(%arg9 : memref<64x128xi32, #tpu.memory_space<vmem>>)
      tpu.yield
    }) : () -> ()
    "tpu.region"() ({
      %run_scoped3A = tpu.sem_alloc : memref<!tpu.dma_semaphore, #tpu.memory_space<semaphore_mem>>
      %dma_start3A_42 = arith.constant 0 : i32
      %dma_start3A_43 = tpu.memref_slice %arg4[%mul3A_2, %dma_start3A_42] : memref<2048x128xi32, #tpu.memory_space<hbm>> -> memref<64x128xi32, #tpu.memory_space<hbm>>
      %dma_start3A_44 = arith.constant 0 : i32
      %dma_start3A_45 = tpu.memref_slice %arg4[%mul3A_2, %dma_start3A_44] : memref<2048x128xi32, #tpu.memory_space<hbm>> -> memref<64x128xi32, #tpu.memory_space<hbm>>
      tpu.enqueue_dma source(%dma_start3A_45 : memref<64x128xi32, #tpu.memory_space<hbm>>) target(%arg10 : memref<64x128xi32, #tpu.memory_space<vmem>>) target_semaphore(%run_scoped3A : memref<!tpu.dma_semaphore, #tpu.memory_space<semaphore_mem>>)
      %dma_wait3A = arith.constant 0 : i32
      %dma_wait3A_46 = tpu.memref_slice %arg4[%mul3A_2, %dma_wait3A] : memref<2048x128xi32, #tpu.memory_space<hbm>> -> memref<64x128xi32, #tpu.memory_space<hbm>>
      %dma_wait3A_47 = arith.constant 0 : i32
      %dma_wait3A_48 = tpu.memref_slice %arg4[%mul3A_2, %dma_wait3A_47] : memref<2048x128xi32, #tpu.memory_space<hbm>> -> memref<64x128xi32, #tpu.memory_space<hbm>>
      tpu.wait_dma2 semaphore(%run_scoped3A : memref<!tpu.dma_semaphore, #tpu.memory_space<semaphore_mem>>) src(%dma_wait3A_48 : memref<64x128xi32, #tpu.memory_space<hbm>>) dst(%arg10 : memref<64x128xi32, #tpu.memory_space<vmem>>)
      tpu.yield
    }) : () -> ()
    %mul3A_3 = arith.constant 640 : i32
    %mul3A_4 = arith.muli %arg1, %mul3A_3 : i32
    %add3A_5 = arith.constant 0 : i32
    %add3A_6 = arith.addi %mul3A_4, %add3A_5 : i32
    "tpu.region"() ({
      %run_scoped3A = tpu.sem_alloc : memref<!tpu.dma_semaphore, #tpu.memory_space<semaphore_mem>>
      %dma_start3A_42 = arith.constant 0 : i32
      %dma_start3A_43 = tpu.memref_slice %arg11[%add3A_6, %dma_start3A_42] : memref<10240x128xf32, #tpu.memory_space<vmem_shared>> -> memref<128x128xf32, #tpu.memory_space<vmem_shared>>
      tpu.enqueue_dma source(%arg5 : memref<128x128xf32, #tpu.memory_space<hbm>>) target(%dma_start3A_43 : memref<128x128xf32, #tpu.memory_space<vmem_shared>>) target_semaphore(%run_scoped3A : memref<!tpu.dma_semaphore, #tpu.memory_space<semaphore_mem>>)
      %dma_wait3A = arith.constant 0 : i32
      %dma_wait3A_44 = tpu.memref_slice %arg11[%add3A_6, %dma_wait3A] : memref<10240x128xf32, #tpu.memory_space<vmem_shared>> -> memref<128x128xf32, #tpu.memory_space<vmem_shared>>
      tpu.wait_dma2 semaphore(%run_scoped3A : memref<!tpu.dma_semaphore, #tpu.memory_space<semaphore_mem>>) src(%arg5 : memref<128x128xf32, #tpu.memory_space<hbm>>) dst(%dma_wait3A_44 : memref<128x128xf32, #tpu.memory_space<vmem_shared>>)
      tpu.yield
    }) : () -> ()
    %mul3A_7 = arith.constant 640 : i32
    %mul3A_8 = arith.muli %arg1, %mul3A_7 : i32
    %add3A_9 = arith.constant 128 : i32
    %add3A_10 = arith.addi %mul3A_8, %add3A_9 : i32
    "tpu.region"() ({
      %run_scoped3A = tpu.sem_alloc : memref<!tpu.dma_semaphore, #tpu.memory_space<semaphore_mem>>
      %dma_start3A_42 = arith.constant 0 : i32
      %dma_start3A_43 = tpu.memref_slice %arg11[%add3A_10, %dma_start3A_42] : memref<10240x128xf32, #tpu.memory_space<vmem_shared>> -> memref<128x128xf32, #tpu.memory_space<vmem_shared>>
      tpu.enqueue_dma source(%arg5 : memref<128x128xf32, #tpu.memory_space<hbm>>) target(%dma_start3A_43 : memref<128x128xf32, #tpu.memory_space<vmem_shared>>) target_semaphore(%run_scoped3A : memref<!tpu.dma_semaphore, #tpu.memory_space<semaphore_mem>>)
      %dma_wait3A = arith.constant 0 : i32
      %dma_wait3A_44 = tpu.memref_slice %arg11[%add3A_10, %dma_wait3A] : memref<10240x128xf32, #tpu.memory_space<vmem_shared>> -> memref<128x128xf32, #tpu.memory_space<vmem_shared>>
      tpu.wait_dma2 semaphore(%run_scoped3A : memref<!tpu.dma_semaphore, #tpu.memory_space<semaphore_mem>>) src(%arg5 : memref<128x128xf32, #tpu.memory_space<hbm>>) dst(%dma_wait3A_44 : memref<128x128xf32, #tpu.memory_space<vmem_shared>>)
      tpu.yield
    }) : () -> ()
    %mul3A_11 = arith.constant 640 : i32
    %mul3A_12 = arith.muli %arg1, %mul3A_11 : i32
    %add3A_13 = arith.constant 256 : i32
    %add3A_14 = arith.addi %mul3A_12, %add3A_13 : i32
    "tpu.region"() ({
      %run_scoped3A = tpu.sem_alloc : memref<!tpu.dma_semaphore, #tpu.memory_space<semaphore_mem>>
      %dma_start3A_42 = arith.constant 0 : i32
      %dma_start3A_43 = tpu.memref_slice %arg11[%add3A_14, %dma_start3A_42] : memref<10240x128xf32, #tpu.memory_space<vmem_shared>> -> memref<128x128xf32, #tpu.memory_space<vmem_shared>>
      tpu.enqueue_dma source(%arg5 : memref<128x128xf32, #tpu.memory_space<hbm>>) target(%dma_start3A_43 : memref<128x128xf32, #tpu.memory_space<vmem_shared>>) target_semaphore(%run_scoped3A : memref<!tpu.dma_semaphore, #tpu.memory_space<semaphore_mem>>)
      %dma_wait3A = arith.constant 0 : i32
      %dma_wait3A_44 = tpu.memref_slice %arg11[%add3A_14, %dma_wait3A] : memref<10240x128xf32, #tpu.memory_space<vmem_shared>> -> memref<128x128xf32, #tpu.memory_space<vmem_shared>>
      tpu.wait_dma2 semaphore(%run_scoped3A : memref<!tpu.dma_semaphore, #tpu.memory_space<semaphore_mem>>) src(%arg5 : memref<128x128xf32, #tpu.memory_space<hbm>>) dst(%dma_wait3A_44 : memref<128x128xf32, #tpu.memory_space<vmem_shared>>)
      tpu.yield
    }) : () -> ()
    %mul3A_15 = arith.constant 640 : i32
    %mul3A_16 = arith.muli %arg1, %mul3A_15 : i32
    %add3A_17 = arith.constant 384 : i32
    %add3A_18 = arith.addi %mul3A_16, %add3A_17 : i32
    "tpu.region"() ({
      %run_scoped3A = tpu.sem_alloc : memref<!tpu.dma_semaphore, #tpu.memory_space<semaphore_mem>>
      %dma_start3A_42 = arith.constant 0 : i32
      %dma_start3A_43 = tpu.memref_slice %arg11[%add3A_18, %dma_start3A_42] : memref<10240x128xf32, #tpu.memory_space<vmem_shared>> -> memref<128x128xf32, #tpu.memory_space<vmem_shared>>
      tpu.enqueue_dma source(%arg5 : memref<128x128xf32, #tpu.memory_space<hbm>>) target(%dma_start3A_43 : memref<128x128xf32, #tpu.memory_space<vmem_shared>>) target_semaphore(%run_scoped3A : memref<!tpu.dma_semaphore, #tpu.memory_space<semaphore_mem>>)
      %dma_wait3A = arith.constant 0 : i32
      %dma_wait3A_44 = tpu.memref_slice %arg11[%add3A_18, %dma_wait3A] : memref<10240x128xf32, #tpu.memory_space<vmem_shared>> -> memref<128x128xf32, #tpu.memory_space<vmem_shared>>
      tpu.wait_dma2 semaphore(%run_scoped3A : memref<!tpu.dma_semaphore, #tpu.memory_space<semaphore_mem>>) src(%arg5 : memref<128x128xf32, #tpu.memory_space<hbm>>) dst(%dma_wait3A_44 : memref<128x128xf32, #tpu.memory_space<vmem_shared>>)
      tpu.yield
    }) : () -> ()
    %mul3A_19 = arith.constant 640 : i32
    %mul3A_20 = arith.muli %arg1, %mul3A_19 : i32
    %add3A_21 = arith.constant 512 : i32
    %add3A_22 = arith.addi %mul3A_20, %add3A_21 : i32
    "tpu.region"() ({
      %run_scoped3A = tpu.sem_alloc : memref<!tpu.dma_semaphore, #tpu.memory_space<semaphore_mem>>
      %dma_start3A_42 = arith.constant 0 : i32
      %dma_start3A_43 = tpu.memref_slice %arg11[%add3A_22, %dma_start3A_42] : memref<10240x128xf32, #tpu.memory_space<vmem_shared>> -> memref<128x128xf32, #tpu.memory_space<vmem_shared>>
      tpu.enqueue_dma source(%arg5 : memref<128x128xf32, #tpu.memory_space<hbm>>) target(%dma_start3A_43 : memref<128x128xf32, #tpu.memory_space<vmem_shared>>) target_semaphore(%run_scoped3A : memref<!tpu.dma_semaphore, #tpu.memory_space<semaphore_mem>>)
      %dma_wait3A = arith.constant 0 : i32
      %dma_wait3A_44 = tpu.memref_slice %arg11[%add3A_22, %dma_wait3A] : memref<10240x128xf32, #tpu.memory_space<vmem_shared>> -> memref<128x128xf32, #tpu.memory_space<vmem_shared>>
      tpu.wait_dma2 semaphore(%run_scoped3A : memref<!tpu.dma_semaphore, #tpu.memory_space<semaphore_mem>>) src(%arg5 : memref<128x128xf32, #tpu.memory_space<hbm>>) dst(%dma_wait3A_44 : memref<128x128xf32, #tpu.memory_space<vmem_shared>>)
      tpu.yield
    }) : () -> ()
    %barrier3A = arith.constant 0 : index
    tpu.barrier barrier_id(%barrier3A)
    %dma_start3A = arith.constant 0 : i32
    %dma_start3A_23 = arith.constant 0 : i32
    %dma_start3A_24 = tpu.memref_slice %arg9[%dma_start3A, %dma_start3A_23] : memref<64x128xi32, #tpu.memory_space<vmem>> -> memref<1x128xi32, #tpu.memory_space<vmem>>
    %dma_start3A_25 = tpu.memref_squeeze %dma_start3A_24 : memref<1x128xi32, #tpu.memory_space<vmem>> -> memref<128xi32, #tpu.memory_space<vmem>>
    %dma_start3A_26 = arith.constant 0 : i32
    %dma_start3A_27 = arith.constant 0 : i32
    %dma_start3A_28 = tpu.memref_slice %arg2[%dma_start3A_26, %dma_start3A_27] : memref<16384x128xf32, #tpu.memory_space<hbm>> -> memref<16384x128xf32, #tpu.memory_space<hbm>>
    tpu.enqueue_indirect_dma source(%dma_start3A_28 : memref<16384x128xf32, #tpu.memory_space<hbm>>) target(%arg7 : memref<128x128xf32, #tpu.memory_space<vmem>>) offsets(%dma_start3A_25 : memref<128xi32, #tpu.memory_space<vmem>>) semaphore(%arg12 : memref<!tpu.dma_semaphore, #tpu.memory_space<semaphore_mem>>)
    %scan3A = arith.constant 0 : i32
    %scan3A_29 = arith.constant 0 : i32
    %scan3A_30 = arith.constant 32 : i32
    %scan3A_31 = arith.addi %scan3A_29, %scan3A_30 : i32
    %scan3A_32 = arith.constant 1 : i32
    scf.for %scan3A_42 = %scan3A_29 to %scan3A_31 step %scan3A_32  : i32 {
      %mul3A_43 = arith.constant 2 : i32
      %mul3A_44 = arith.muli %mul3A_43, %scan3A_42 : i32
      %add3A_45 = arith.constant 1 : i32
      %add3A_46 = arith.addi %mul3A_44, %add3A_45 : i32
      %dma_start3A_47 = arith.constant 0 : i32
      %dma_start3A_48 = tpu.memref_slice %arg9[%add3A_46, %dma_start3A_47] : memref<64x128xi32, #tpu.memory_space<vmem>> -> memref<1x128xi32, #tpu.memory_space<vmem>>
      %dma_start3A_49 = tpu.memref_squeeze %dma_start3A_48 : memref<1x128xi32, #tpu.memory_space<vmem>> -> memref<128xi32, #tpu.memory_space<vmem>>
      %dma_start3A_50 = arith.constant 0 : i32
      %dma_start3A_51 = arith.constant 0 : i32
      %dma_start3A_52 = tpu.memref_slice %arg2[%dma_start3A_50, %dma_start3A_51] : memref<16384x128xf32, #tpu.memory_space<hbm>> -> memref<16384x128xf32, #tpu.memory_space<hbm>>
      tpu.enqueue_indirect_dma source(%dma_start3A_52 : memref<16384x128xf32, #tpu.memory_space<hbm>>) target(%arg8 : memref<128x128xf32, #tpu.memory_space<vmem>>) offsets(%dma_start3A_49 : memref<128xi32, #tpu.memory_space<vmem>>) semaphore(%arg13 : memref<!tpu.dma_semaphore, #tpu.memory_space<semaphore_mem>>)
      %dma_wait3A = arith.constant 0 : i32
      %dma_wait3A_53 = tpu.memref_slice %arg9[%mul3A_44, %dma_wait3A] : memref<64x128xi32, #tpu.memory_space<vmem>> -> memref<1x128xi32, #tpu.memory_space<vmem>>
      %dma_wait3A_54 = tpu.memref_squeeze %dma_wait3A_53 : memref<1x128xi32, #tpu.memory_space<vmem>> -> memref<128xi32, #tpu.memory_space<vmem>>
      %dma_wait3A_55 = arith.constant 0 : i32
      %dma_wait3A_56 = arith.constant 0 : i32
      %dma_wait3A_57 = tpu.memref_slice %arg2[%dma_wait3A_55, %dma_wait3A_56] : memref<16384x128xf32, #tpu.memory_space<hbm>> -> memref<16384x128xf32, #tpu.memory_space<hbm>>
      tpu.wait_indirect_dma semaphore(%arg12 : memref<!tpu.dma_semaphore, #tpu.memory_space<semaphore_mem>>) src(%dma_wait3A_57 : memref<16384x128xf32, #tpu.memory_space<hbm>>) dst(%arg7 : memref<128x128xf32, #tpu.memory_space<vmem>>)
      "tpu.region"() ({
        %run_scoped3A = tpu.sem_alloc : memref<!tpu.dma_semaphore, #tpu.memory_space<semaphore_mem>>
        %dma_start3A_72 = arith.constant 0 : i32
        %dma_start3A_73 = tpu.memref_slice %arg10[%mul3A_44, %dma_start3A_72] : memref<64x128xi32, #tpu.memory_space<vmem>> -> memref<1x128xi32, #tpu.memory_space<vmem>>
        %dma_start3A_74 = tpu.memref_squeeze %dma_start3A_73 : memref<1x128xi32, #tpu.memory_space<vmem>> -> memref<128xi32, #tpu.memory_space<vmem>>
        %dma_start3A_75 = arith.constant 0 : i32
        %dma_start3A_76 = arith.constant 0 : i32
        %dma_start3A_77 = tpu.memref_slice %arg11[%dma_start3A_75, %dma_start3A_76] : memref<10240x128xf32, #tpu.memory_space<vmem_shared>> -> memref<10240x128xf32, #tpu.memory_space<vmem_shared>>
        tpu.enqueue_indirect_dma source(%arg7 : memref<128x128xf32, #tpu.memory_space<vmem>>) target(%dma_start3A_77 : memref<10240x128xf32, #tpu.memory_space<vmem_shared>>) offsets(%dma_start3A_74 : memref<128xi32, #tpu.memory_space<vmem>>) semaphore(%run_scoped3A : memref<!tpu.dma_semaphore, #tpu.memory_space<semaphore_mem>>) {add = true}
        %dma_wait3A_78 = arith.constant 0 : i32
        %dma_wait3A_79 = tpu.memref_slice %arg10[%mul3A_44, %dma_wait3A_78] : memref<64x128xi32, #tpu.memory_space<vmem>> -> memref<1x128xi32, #tpu.memory_space<vmem>>
        %dma_wait3A_80 = tpu.memref_squeeze %dma_wait3A_79 : memref<1x128xi32, #tpu.memory_space<vmem>> -> memref<128xi32, #tpu.memory_space<vmem>>
        %dma_wait3A_81 = arith.constant 0 : i32
        %dma_wait3A_82 = arith.constant 0 : i32
        %dma_wait3A_83 = tpu.memref_slice %arg11[%dma_wait3A_81, %dma_wait3A_82] : memref<10240x128xf32, #tpu.memory_space<vmem_shared>> -> memref<10240x128xf32, #tpu.memory_space<vmem_shared>>
        tpu.wait_indirect_dma semaphore(%run_scoped3A : memref<!tpu.dma_semaphore, #tpu.memory_space<semaphore_mem>>) src(%arg7 : memref<128x128xf32, #tpu.memory_space<vmem>>) dst(%dma_wait3A_83 : memref<10240x128xf32, #tpu.memory_space<vmem_shared>>)
        tpu.yield
      }) : () -> ()
      %add3A_58 = arith.constant 2 : i32
      %add3A_59 = arith.addi %mul3A_44, %add3A_58 : i32
      %lt3A = arith.constant 64 : i32
      %lt3A_60 = arith.cmpi slt, %add3A_59, %lt3A : i32
      %convert_element_type3A = arith.extui %lt3A_60 : i1 to i32
      %cond3A = arith.constant 0 : i32
      %cond3A_61 = arith.cmpi ne, %convert_element_type3A, %cond3A : i32
      scf.if %cond3A_61 {
        %add3A_72 = arith.constant 2 : i32
        %add3A_73 = arith.addi %mul3A_44, %add3A_72 : i32
        %dma_start3A_74 = arith.constant 0 : i32
        %dma_start3A_75 = tpu.memref_slice %arg9[%add3A_73, %dma_start3A_74] : memref<64x128xi32, #tpu.memory_space<vmem>> -> memref<1x128xi32, #tpu.memory_space<vmem>>
        %dma_start3A_76 = tpu.memref_squeeze %dma_start3A_75 : memref<1x128xi32, #tpu.memory_space<vmem>> -> memref<128xi32, #tpu.memory_space<vmem>>
        %dma_start3A_77 = arith.constant 0 : i32
        %dma_start3A_78 = arith.constant 0 : i32
        %dma_start3A_79 = tpu.memref_slice %arg2[%dma_start3A_77, %dma_start3A_78] : memref<16384x128xf32, #tpu.memory_space<hbm>> -> memref<16384x128xf32, #tpu.memory_space<hbm>>
        tpu.enqueue_indirect_dma source(%dma_start3A_79 : memref<16384x128xf32, #tpu.memory_space<hbm>>) target(%arg7 : memref<128x128xf32, #tpu.memory_space<vmem>>) offsets(%dma_start3A_76 : memref<128xi32, #tpu.memory_space<vmem>>) semaphore(%arg12 : memref<!tpu.dma_semaphore, #tpu.memory_space<semaphore_mem>>)
      } else {
      }
      %add3A_62 = arith.constant 1 : i32
      %add3A_63 = arith.addi %mul3A_44, %add3A_62 : i32
      %dma_wait3A_64 = arith.constant 0 : i32
      %dma_wait3A_65 = tpu.memref_slice %arg9[%add3A_63, %dma_wait3A_64] : memref<64x128xi32, #tpu.memory_space<vmem>> -> memref<1x128xi32, #tpu.memory_space<vmem>>
      %dma_wait3A_66 = tpu.memref_squeeze %dma_wait3A_65 : memref<1x128xi32, #tpu.memory_space<vmem>> -> memref<128xi32, #tpu.memory_space<vmem>>
      %dma_wait3A_67 = arith.constant 0 : i32
      %dma_wait3A_68 = arith.constant 0 : i32
      %dma_wait3A_69 = tpu.memref_slice %arg2[%dma_wait3A_67, %dma_wait3A_68] : memref<16384x128xf32, #tpu.memory_space<hbm>> -> memref<16384x128xf32, #tpu.memory_space<hbm>>
      tpu.wait_indirect_dma semaphore(%arg13 : memref<!tpu.dma_semaphore, #tpu.memory_space<semaphore_mem>>) src(%dma_wait3A_69 : memref<16384x128xf32, #tpu.memory_space<hbm>>) dst(%arg8 : memref<128x128xf32, #tpu.memory_space<vmem>>)
      %add3A_70 = arith.constant 1 : i32
      %add3A_71 = arith.addi %mul3A_44, %add3A_70 : i32
      "tpu.region"() ({
        %run_scoped3A = tpu.sem_alloc : memref<!tpu.dma_semaphore, #tpu.memory_space<semaphore_mem>>
        %dma_start3A_72 = arith.constant 0 : i32
        %dma_start3A_73 = tpu.memref_slice %arg10[%add3A_71, %dma_start3A_72] : memref<64x128xi32, #tpu.memory_space<vmem>> -> memref<1x128xi32, #tpu.memory_space<vmem>>
        %dma_start3A_74 = tpu.memref_squeeze %dma_start3A_73 : memref<1x128xi32, #tpu.memory_space<vmem>> -> memref<128xi32, #tpu.memory_space<vmem>>
        %dma_start3A_75 = arith.constant 0 : i32
        %dma_start3A_76 = arith.constant 0 : i32
        %dma_start3A_77 = tpu.memref_slice %arg11[%dma_start3A_75, %dma_start3A_76] : memref<10240x128xf32, #tpu.memory_space<vmem_shared>> -> memref<10240x128xf32, #tpu.memory_space<vmem_shared>>
        tpu.enqueue_indirect_dma source(%arg8 : memref<128x128xf32, #tpu.memory_space<vmem>>) target(%dma_start3A_77 : memref<10240x128xf32, #tpu.memory_space<vmem_shared>>) offsets(%dma_start3A_74 : memref<128xi32, #tpu.memory_space<vmem>>) semaphore(%run_scoped3A : memref<!tpu.dma_semaphore, #tpu.memory_space<semaphore_mem>>) {add = true}
        %dma_wait3A_78 = arith.constant 0 : i32
        %dma_wait3A_79 = tpu.memref_slice %arg10[%add3A_71, %dma_wait3A_78] : memref<64x128xi32, #tpu.memory_space<vmem>> -> memref<1x128xi32, #tpu.memory_space<vmem>>
        %dma_wait3A_80 = tpu.memref_squeeze %dma_wait3A_79 : memref<1x128xi32, #tpu.memory_space<vmem>> -> memref<128xi32, #tpu.memory_space<vmem>>
        %dma_wait3A_81 = arith.constant 0 : i32
        %dma_wait3A_82 = arith.constant 0 : i32
        %dma_wait3A_83 = tpu.memref_slice %arg11[%dma_wait3A_81, %dma_wait3A_82] : memref<10240x128xf32, #tpu.memory_space<vmem_shared>> -> memref<10240x128xf32, #tpu.memory_space<vmem_shared>>
        tpu.wait_indirect_dma semaphore(%run_scoped3A : memref<!tpu.dma_semaphore, #tpu.memory_space<semaphore_mem>>) src(%arg8 : memref<128x128xf32, #tpu.memory_space<vmem>>) dst(%dma_wait3A_83 : memref<10240x128xf32, #tpu.memory_space<vmem_shared>>)
        tpu.yield
      }) : () -> ()
    }
    %scan3A_33 = arith.constant 32 : i32
    %barrier3A_34 = arith.constant 0 : index
    tpu.barrier barrier_id(%barrier3A_34)
    %mul3A_35 = arith.constant 512 : i32
    %mul3A_36 = arith.muli %arg1, %mul3A_35 : i32
    %mul3A_37 = arith.constant 8192 : i32
    %mul3A_38 = arith.muli %arg0, %mul3A_37 : i32
    %mul3A_39 = arith.constant 512 : i32
    %mul3A_40 = arith.muli %arg1, %mul3A_39 : i32
    %add3A_41 = arith.addi %mul3A_38, %mul3A_40 : i32
    "tpu.region"() ({
      %run_scoped3A = tpu.sem_alloc : memref<!tpu.dma_semaphore, #tpu.memory_space<semaphore_mem>>
      %dma_start3A_42 = arith.constant 0 : i32
      %dma_start3A_43 = tpu.memref_slice %arg6[%add3A_41, %dma_start3A_42] : memref<16384x128xf32, #tpu.memory_space<hbm>> -> memref<512x128xf32, #tpu.memory_space<hbm>>
      %dma_start3A_44 = arith.constant 0 : i32
      %dma_start3A_45 = tpu.memref_slice %arg11[%mul3A_36, %dma_start3A_44] : memref<10240x128xf32, #tpu.memory_space<vmem_shared>> -> memref<512x128xf32, #tpu.memory_space<vmem_shared>>
      tpu.enqueue_dma source(%dma_start3A_45 : memref<512x128xf32, #tpu.memory_space<vmem_shared>>) target(%dma_start3A_43 : memref<512x128xf32, #tpu.memory_space<hbm>>) target_semaphore(%run_scoped3A : memref<!tpu.dma_semaphore, #tpu.memory_space<semaphore_mem>>)
      %dma_wait3A = arith.constant 0 : i32
      %dma_wait3A_46 = tpu.memref_slice %arg6[%add3A_41, %dma_wait3A] : memref<16384x128xf32, #tpu.memory_space<hbm>> -> memref<512x128xf32, #tpu.memory_space<hbm>>
      %dma_wait3A_47 = arith.constant 0 : i32
      %dma_wait3A_48 = tpu.memref_slice %arg11[%mul3A_36, %dma_wait3A_47] : memref<10240x128xf32, #tpu.memory_space<vmem_shared>> -> memref<512x128xf32, #tpu.memory_space<vmem_shared>>
      tpu.wait_dma2 semaphore(%run_scoped3A : memref<!tpu.dma_semaphore, #tpu.memory_space<semaphore_mem>>) src(%dma_wait3A_48 : memref<512x128xf32, #tpu.memory_space<vmem_shared>>) dst(%dma_wait3A_46 : memref<512x128xf32, #tpu.memory_space<hbm>>)
      tpu.yield
    }) : () -> ()
    return
  }
}

#map = affine_map<(d0, d1) -> (0, 0)>
module attributes {stable_mosaic.version = 14 : i64} {
  func.func @k(%arg0: i32, %arg1: i32, %arg2: memref<16384x128xf32, #tpu.memory_space<hbm>>, %arg3: memref<2048x128xi32, #tpu.memory_space<hbm>>, %arg4: memref<2048x128xi32, #tpu.memory_space<hbm>>, %arg5: memref<128x128xf32, #tpu.memory_space<hbm>>, %arg6: memref<16384x128xf32, #tpu.memory_space<hbm>>, %arg7: memref<128x128xf32, #tpu.memory_space<vmem>>, %arg8: memref<128x128xf32, #tpu.memory_space<vmem>>, %arg9: memref<64x128xi32, #tpu.memory_space<vmem>>, %arg10: memref<64x128xi32, #tpu.memory_space<vmem>>, %arg11: memref<10240x128xf32, #tpu.memory_space<vmem_shared>>, %arg12: memref<!tpu.dma_semaphore, #tpu.memory_space<semaphore_mem>>, %arg13: memref<!tpu.dma_semaphore, #tpu.memory_space<semaphore_mem>>) attributes {dimension_semantics = [#tpu.dimension_semantics<core_parallel>, #tpu.dimension_semantics<subcore_parallel>], iteration_bounds = array<i64: 2, 16>, scalar_prefetch = 0 : i64, scratch_operands = 7 : i64, tpu.core_type = #tpu.core_type<sc_vector_subcore>, window_params = [{transform_indices = #map}, {transform_indices = #map}, {transform_indices = #map}, {transform_indices = #map}, {transform_indices = #map}]} {
    %mul3A = arith.constant 16 : i32
    %mul3A_0 = arith.muli %arg0, %mul3A : i32
    %add3A = arith.addi %mul3A_0, %arg1 : i32
    %mul3A_1 = arith.constant 64 : i32
    %mul3A_2 = arith.muli %add3A, %mul3A_1 : i32
    "tpu.region"() ({
      %run_scoped3A = tpu.sem_alloc : memref<!tpu.dma_semaphore, #tpu.memory_space<semaphore_mem>>
      %dma_start3A_42 = arith.constant 0 : i32
      %dma_start3A_43 = tpu.memref_slice %arg3[%mul3A_2, %dma_start3A_42] : memref<2048x128xi32, #tpu.memory_space<hbm>> -> memref<64x128xi32, #tpu.memory_space<hbm>>
      %dma_start3A_44 = arith.constant 0 : i32
      %dma_start3A_45 = tpu.memref_slice %arg3[%mul3A_2, %dma_start3A_44] : memref<2048x128xi32, #tpu.memory_space<hbm>> -> memref<64x128xi32, #tpu.memory_space<hbm>>
      tpu.enqueue_dma source(%dma_start3A_45 : memref<64x128xi32, #tpu.memory_space<hbm>>) target(%arg9 : memref<64x128xi32, #tpu.memory_space<vmem>>) target_semaphore(%run_scoped3A : memref<!tpu.dma_semaphore, #tpu.memory_space<semaphore_mem>>)
      %dma_wait3A = arith.constant 0 : i32
      %dma_wait3A_46 = tpu.memref_slice %arg3[%mul3A_2, %dma_wait3A] : memref<2048x128xi32, #tpu.memory_space<hbm>> -> memref<64x128xi32, #tpu.memory_space<hbm>>
      %dma_wait3A_47 = arith.constant 0 : i32
      %dma_wait3A_48 = tpu.memref_slice %arg3[%mul3A_2, %dma_wait3A_47] : memref<2048x128xi32, #tpu.memory_space<hbm>> -> memref<64x128xi32, #tpu.memory_space<hbm>>
      tpu.wait_dma2 semaphore(%run_scoped3A : memref<!tpu.dma_semaphore, #tpu.memory_space<semaphore_mem>>) src(%dma_wait3A_48 : memref<64x128xi32, #tpu.memory_space<hbm>>) dst(%arg9 : memref<64x128xi32, #tpu.memory_space<vmem>>)
      tpu.yield
    }) : () -> ()
    "tpu.region"() ({
      %run_scoped3A = tpu.sem_alloc : memref<!tpu.dma_semaphore, #tpu.memory_space<semaphore_mem>>
      %dma_start3A_42 = arith.constant 0 : i32
      %dma_start3A_43 = tpu.memref_slice %arg4[%mul3A_2, %dma_start3A_42] : memref<2048x128xi32, #tpu.memory_space<hbm>> -> memref<64x128xi32, #tpu.memory_space<hbm>>
      %dma_start3A_44 = arith.constant 0 : i32
      %dma_start3A_45 = tpu.memref_slice %arg4[%mul3A_2, %dma_start3A_44] : memref<2048x128xi32, #tpu.memory_space<hbm>> -> memref<64x128xi32, #tpu.memory_space<hbm>>
      tpu.enqueue_dma source(%dma_start3A_45 : memref<64x128xi32, #tpu.memory_space<hbm>>) target(%arg10 : memref<64x128xi32, #tpu.memory_space<vmem>>) target_semaphore(%run_scoped3A : memref<!tpu.dma_semaphore, #tpu.memory_space<semaphore_mem>>)
      %dma_wait3A = arith.constant 0 : i32
      %dma_wait3A_46 = tpu.memref_slice %arg4[%mul3A_2, %dma_wait3A] : memref<2048x128xi32, #tpu.memory_space<hbm>> -> memref<64x128xi32, #tpu.memory_space<hbm>>
      %dma_wait3A_47 = arith.constant 0 : i32
      %dma_wait3A_48 = tpu.memref_slice %arg4[%mul3A_2, %dma_wait3A_47] : memref<2048x128xi32, #tpu.memory_space<hbm>> -> memref<64x128xi32, #tpu.memory_space<hbm>>
      tpu.wait_dma2 semaphore(%run_scoped3A : memref<!tpu.dma_semaphore, #tpu.memory_space<semaphore_mem>>) src(%dma_wait3A_48 : memref<64x128xi32, #tpu.memory_space<hbm>>) dst(%arg10 : memref<64x128xi32, #tpu.memory_space<vmem>>)
      tpu.yield
    }) : () -> ()
    %mul3A_3 = arith.constant 640 : i32
    %mul3A_4 = arith.muli %arg1, %mul3A_3 : i32
    %add3A_5 = arith.constant 0 : i32
    %add3A_6 = arith.addi %mul3A_4, %add3A_5 : i32
    "tpu.region"() ({
      %run_scoped3A = tpu.sem_alloc : memref<!tpu.dma_semaphore, #tpu.memory_space<semaphore_mem>>
      %dma_start3A_42 = arith.constant 0 : i32
      %dma_start3A_43 = tpu.memref_slice %arg11[%add3A_6, %dma_start3A_42] : memref<10240x128xf32, #tpu.memory_space<vmem_shared>> -> memref<128x128xf32, #tpu.memory_space<vmem_shared>>
      tpu.enqueue_dma source(%arg5 : memref<128x128xf32, #tpu.memory_space<hbm>>) target(%dma_start3A_43 : memref<128x128xf32, #tpu.memory_space<vmem_shared>>) target_semaphore(%run_scoped3A : memref<!tpu.dma_semaphore, #tpu.memory_space<semaphore_mem>>)
      %dma_wait3A = arith.constant 0 : i32
      %dma_wait3A_44 = tpu.memref_slice %arg11[%add3A_6, %dma_wait3A] : memref<10240x128xf32, #tpu.memory_space<vmem_shared>> -> memref<128x128xf32, #tpu.memory_space<vmem_shared>>
      tpu.wait_dma2 semaphore(%run_scoped3A : memref<!tpu.dma_semaphore, #tpu.memory_space<semaphore_mem>>) src(%arg5 : memref<128x128xf32, #tpu.memory_space<hbm>>) dst(%dma_wait3A_44 : memref<128x128xf32, #tpu.memory_space<vmem_shared>>)
      tpu.yield
    }) : () -> ()
    %mul3A_7 = arith.constant 640 : i32
    %mul3A_8 = arith.muli %arg1, %mul3A_7 : i32
    %add3A_9 = arith.constant 128 : i32
    %add3A_10 = arith.addi %mul3A_8, %add3A_9 : i32
    "tpu.region"() ({
      %run_scoped3A = tpu.sem_alloc : memref<!tpu.dma_semaphore, #tpu.memory_space<semaphore_mem>>
      %dma_start3A_42 = arith.constant 0 : i32
      %dma_start3A_43 = tpu.memref_slice %arg11[%add3A_10, %dma_start3A_42] : memref<10240x128xf32, #tpu.memory_space<vmem_shared>> -> memref<128x128xf32, #tpu.memory_space<vmem_shared>>
      tpu.enqueue_dma source(%arg5 : memref<128x128xf32, #tpu.memory_space<hbm>>) target(%dma_start3A_43 : memref<128x128xf32, #tpu.memory_space<vmem_shared>>) target_semaphore(%run_scoped3A : memref<!tpu.dma_semaphore, #tpu.memory_space<semaphore_mem>>)
      %dma_wait3A = arith.constant 0 : i32
      %dma_wait3A_44 = tpu.memref_slice %arg11[%add3A_10, %dma_wait3A] : memref<10240x128xf32, #tpu.memory_space<vmem_shared>> -> memref<128x128xf32, #tpu.memory_space<vmem_shared>>
      tpu.wait_dma2 semaphore(%run_scoped3A : memref<!tpu.dma_semaphore, #tpu.memory_space<semaphore_mem>>) src(%arg5 : memref<128x128xf32, #tpu.memory_space<hbm>>) dst(%dma_wait3A_44 : memref<128x128xf32, #tpu.memory_space<vmem_shared>>)
      tpu.yield
    }) : () -> ()
    %mul3A_11 = arith.constant 640 : i32
    %mul3A_12 = arith.muli %arg1, %mul3A_11 : i32
    %add3A_13 = arith.constant 256 : i32
    %add3A_14 = arith.addi %mul3A_12, %add3A_13 : i32
    "tpu.region"() ({
      %run_scoped3A = tpu.sem_alloc : memref<!tpu.dma_semaphore, #tpu.memory_space<semaphore_mem>>
      %dma_start3A_42 = arith.constant 0 : i32
      %dma_start3A_43 = tpu.memref_slice %arg11[%add3A_14, %dma_start3A_42] : memref<10240x128xf32, #tpu.memory_space<vmem_shared>> -> memref<128x128xf32, #tpu.memory_space<vmem_shared>>
      tpu.enqueue_dma source(%arg5 : memref<128x128xf32, #tpu.memory_space<hbm>>) target(%dma_start3A_43 : memref<128x128xf32, #tpu.memory_space<vmem_shared>>) target_semaphore(%run_scoped3A : memref<!tpu.dma_semaphore, #tpu.memory_space<semaphore_mem>>)
      %dma_wait3A = arith.constant 0 : i32
      %dma_wait3A_44 = tpu.memref_slice %arg11[%add3A_14, %dma_wait3A] : memref<10240x128xf32, #tpu.memory_space<vmem_shared>> -> memref<128x128xf32, #tpu.memory_space<vmem_shared>>
      tpu.wait_dma2 semaphore(%run_scoped3A : memref<!tpu.dma_semaphore, #tpu.memory_space<semaphore_mem>>) src(%arg5 : memref<128x128xf32, #tpu.memory_space<hbm>>) dst(%dma_wait3A_44 : memref<128x128xf32, #tpu.memory_space<vmem_shared>>)
      tpu.yield
    }) : () -> ()
    %mul3A_15 = arith.constant 640 : i32
    %mul3A_16 = arith.muli %arg1, %mul3A_15 : i32
    %add3A_17 = arith.constant 384 : i32
    %add3A_18 = arith.addi %mul3A_16, %add3A_17 : i32
    "tpu.region"() ({
      %run_scoped3A = tpu.sem_alloc : memref<!tpu.dma_semaphore, #tpu.memory_space<semaphore_mem>>
      %dma_start3A_42 = arith.constant 0 : i32
      %dma_start3A_43 = tpu.memref_slice %arg11[%add3A_18, %dma_start3A_42] : memref<10240x128xf32, #tpu.memory_space<vmem_shared>> -> memref<128x128xf32, #tpu.memory_space<vmem_shared>>
      tpu.enqueue_dma source(%arg5 : memref<128x128xf32, #tpu.memory_space<hbm>>) target(%dma_start3A_43 : memref<128x128xf32, #tpu.memory_space<vmem_shared>>) target_semaphore(%run_scoped3A : memref<!tpu.dma_semaphore, #tpu.memory_space<semaphore_mem>>)
      %dma_wait3A = arith.constant 0 : i32
      %dma_wait3A_44 = tpu.memref_slice %arg11[%add3A_18, %dma_wait3A] : memref<10240x128xf32, #tpu.memory_space<vmem_shared>> -> memref<128x128xf32, #tpu.memory_space<vmem_shared>>
      tpu.wait_dma2 semaphore(%run_scoped3A : memref<!tpu.dma_semaphore, #tpu.memory_space<semaphore_mem>>) src(%arg5 : memref<128x128xf32, #tpu.memory_space<hbm>>) dst(%dma_wait3A_44 : memref<128x128xf32, #tpu.memory_space<vmem_shared>>)
      tpu.yield
    }) : () -> ()
    %mul3A_19 = arith.constant 640 : i32
    %mul3A_20 = arith.muli %arg1, %mul3A_19 : i32
    %add3A_21 = arith.constant 512 : i32
    %add3A_22 = arith.addi %mul3A_20, %add3A_21 : i32
    "tpu.region"() ({
      %run_scoped3A = tpu.sem_alloc : memref<!tpu.dma_semaphore, #tpu.memory_space<semaphore_mem>>
      %dma_start3A_42 = arith.constant 0 : i32
      %dma_start3A_43 = tpu.memref_slice %arg11[%add3A_22, %dma_start3A_42] : memref<10240x128xf32, #tpu.memory_space<vmem_shared>> -> memref<128x128xf32, #tpu.memory_space<vmem_shared>>
      tpu.enqueue_dma source(%arg5 : memref<128x128xf32, #tpu.memory_space<hbm>>) target(%dma_start3A_43 : memref<128x128xf32, #tpu.memory_space<vmem_shared>>) target_semaphore(%run_scoped3A : memref<!tpu.dma_semaphore, #tpu.memory_space<semaphore_mem>>)
      %dma_wait3A = arith.constant 0 : i32
      %dma_wait3A_44 = tpu.memref_slice %arg11[%add3A_22, %dma_wait3A] : memref<10240x128xf32, #tpu.memory_space<vmem_shared>> -> memref<128x128xf32, #tpu.memory_space<vmem_shared>>
      tpu.wait_dma2 semaphore(%run_scoped3A : memref<!tpu.dma_semaphore, #tpu.memory_space<semaphore_mem>>) src(%arg5 : memref<128x128xf32, #tpu.memory_space<hbm>>) dst(%dma_wait3A_44 : memref<128x128xf32, #tpu.memory_space<vmem_shared>>)
      tpu.yield
    }) : () -> ()
    %barrier3A = arith.constant 0 : index
    tpu.barrier barrier_id(%barrier3A)
    %dma_start3A = arith.constant 0 : i32
    %dma_start3A_23 = arith.constant 0 : i32
    %dma_start3A_24 = tpu.memref_slice %arg9[%dma_start3A, %dma_start3A_23] : memref<64x128xi32, #tpu.memory_space<vmem>> -> memref<1x128xi32, #tpu.memory_space<vmem>>
    %dma_start3A_25 = tpu.memref_squeeze %dma_start3A_24 : memref<1x128xi32, #tpu.memory_space<vmem>> -> memref<128xi32, #tpu.memory_space<vmem>>
    %dma_start3A_26 = arith.constant 0 : i32
    %dma_start3A_27 = arith.constant 0 : i32
    %dma_start3A_28 = tpu.memref_slice %arg2[%dma_start3A_26, %dma_start3A_27] : memref<16384x128xf32, #tpu.memory_space<hbm>> -> memref<16384x128xf32, #tpu.memory_space<hbm>>
    tpu.enqueue_indirect_dma source(%dma_start3A_28 : memref<16384x128xf32, #tpu.memory_space<hbm>>) target(%arg7 : memref<128x128xf32, #tpu.memory_space<vmem>>) offsets(%dma_start3A_25 : memref<128xi32, #tpu.memory_space<vmem>>) semaphore(%arg12 : memref<!tpu.dma_semaphore, #tpu.memory_space<semaphore_mem>>)
    %scan3A = arith.constant 0 : i32
    %scan3A_29 = arith.constant 0 : i32
    %scan3A_30 = arith.constant 32 : i32
    %scan3A_31 = arith.addi %scan3A_29, %scan3A_30 : i32
    %scan3A_32 = arith.constant 1 : i32
    scf.for %scan3A_42 = %scan3A_29 to %scan3A_31 step %scan3A_32  : i32 {
      %mul3A_43 = arith.constant 2 : i32
      %mul3A_44 = arith.muli %mul3A_43, %scan3A_42 : i32
      %add3A_45 = arith.constant 1 : i32
      %add3A_46 = arith.addi %mul3A_44, %add3A_45 : i32
      %dma_start3A_47 = arith.constant 0 : i32
      %dma_start3A_48 = tpu.memref_slice %arg9[%add3A_46, %dma_start3A_47] : memref<64x128xi32, #tpu.memory_space<vmem>> -> memref<1x128xi32, #tpu.memory_space<vmem>>
      %dma_start3A_49 = tpu.memref_squeeze %dma_start3A_48 : memref<1x128xi32, #tpu.memory_space<vmem>> -> memref<128xi32, #tpu.memory_space<vmem>>
      %dma_start3A_50 = arith.constant 0 : i32
      %dma_start3A_51 = arith.constant 0 : i32
      %dma_start3A_52 = tpu.memref_slice %arg2[%dma_start3A_50, %dma_start3A_51] : memref<16384x128xf32, #tpu.memory_space<hbm>> -> memref<16384x128xf32, #tpu.memory_space<hbm>>
      tpu.enqueue_indirect_dma source(%dma_start3A_52 : memref<16384x128xf32, #tpu.memory_space<hbm>>) target(%arg8 : memref<128x128xf32, #tpu.memory_space<vmem>>) offsets(%dma_start3A_49 : memref<128xi32, #tpu.memory_space<vmem>>) semaphore(%arg13 : memref<!tpu.dma_semaphore, #tpu.memory_space<semaphore_mem>>)
      %dma_wait3A = arith.constant 0 : i32
      %dma_wait3A_53 = tpu.memref_slice %arg9[%mul3A_44, %dma_wait3A] : memref<64x128xi32, #tpu.memory_space<vmem>> -> memref<1x128xi32, #tpu.memory_space<vmem>>
      %dma_wait3A_54 = tpu.memref_squeeze %dma_wait3A_53 : memref<1x128xi32, #tpu.memory_space<vmem>> -> memref<128xi32, #tpu.memory_space<vmem>>
      %dma_wait3A_55 = arith.constant 0 : i32
      %dma_wait3A_56 = arith.constant 0 : i32
      %dma_wait3A_57 = tpu.memref_slice %arg2[%dma_wait3A_55, %dma_wait3A_56] : memref<16384x128xf32, #tpu.memory_space<hbm>> -> memref<16384x128xf32, #tpu.memory_space<hbm>>
      tpu.wait_indirect_dma semaphore(%arg12 : memref<!tpu.dma_semaphore, #tpu.memory_space<semaphore_mem>>) src(%dma_wait3A_57 : memref<16384x128xf32, #tpu.memory_space<hbm>>) dst(%arg7 : memref<128x128xf32, #tpu.memory_space<vmem>>)
      "tpu.region"() ({
        %run_scoped3A = tpu.sem_alloc : memref<!tpu.dma_semaphore, #tpu.memory_space<semaphore_mem>>
        %dma_start3A_72 = arith.constant 0 : i32
        %dma_start3A_73 = tpu.memref_slice %arg10[%mul3A_44, %dma_start3A_72] : memref<64x128xi32, #tpu.memory_space<vmem>> -> memref<1x128xi32, #tpu.memory_space<vmem>>
        %dma_start3A_74 = tpu.memref_squeeze %dma_start3A_73 : memref<1x128xi32, #tpu.memory_space<vmem>> -> memref<128xi32, #tpu.memory_space<vmem>>
        %dma_start3A_75 = arith.constant 0 : i32
        %dma_start3A_76 = arith.constant 0 : i32
        %dma_start3A_77 = tpu.memref_slice %arg11[%dma_start3A_75, %dma_start3A_76] : memref<10240x128xf32, #tpu.memory_space<vmem_shared>> -> memref<10240x128xf32, #tpu.memory_space<vmem_shared>>
        tpu.enqueue_indirect_dma source(%arg7 : memref<128x128xf32, #tpu.memory_space<vmem>>) target(%dma_start3A_77 : memref<10240x128xf32, #tpu.memory_space<vmem_shared>>) offsets(%dma_start3A_74 : memref<128xi32, #tpu.memory_space<vmem>>) semaphore(%run_scoped3A : memref<!tpu.dma_semaphore, #tpu.memory_space<semaphore_mem>>) {add = true}
        %dma_wait3A_78 = arith.constant 0 : i32
        %dma_wait3A_79 = tpu.memref_slice %arg10[%mul3A_44, %dma_wait3A_78] : memref<64x128xi32, #tpu.memory_space<vmem>> -> memref<1x128xi32, #tpu.memory_space<vmem>>
        %dma_wait3A_80 = tpu.memref_squeeze %dma_wait3A_79 : memref<1x128xi32, #tpu.memory_space<vmem>> -> memref<128xi32, #tpu.memory_space<vmem>>
        %dma_wait3A_81 = arith.constant 0 : i32
        %dma_wait3A_82 = arith.constant 0 : i32
        %dma_wait3A_83 = tpu.memref_slice %arg11[%dma_wait3A_81, %dma_wait3A_82] : memref<10240x128xf32, #tpu.memory_space<vmem_shared>> -> memref<10240x128xf32, #tpu.memory_space<vmem_shared>>
        tpu.wait_indirect_dma semaphore(%run_scoped3A : memref<!tpu.dma_semaphore, #tpu.memory_space<semaphore_mem>>) src(%arg7 : memref<128x128xf32, #tpu.memory_space<vmem>>) dst(%dma_wait3A_83 : memref<10240x128xf32, #tpu.memory_space<vmem_shared>>)
        tpu.yield
      }) : () -> ()
      %add3A_58 = arith.constant 2 : i32
      %add3A_59 = arith.addi %mul3A_44, %add3A_58 : i32
      %lt3A = arith.constant 64 : i32
      %lt3A_60 = arith.cmpi slt, %add3A_59, %lt3A : i32
      %convert_element_type3A = arith.extui %lt3A_60 : i1 to i32
      %cond3A = arith.constant 0 : i32
      %cond3A_61 = arith.cmpi ne, %convert_element_type3A, %cond3A : i32
      scf.if %cond3A_61 {
        %add3A_72 = arith.constant 2 : i32
        %add3A_73 = arith.addi %mul3A_44, %add3A_72 : i32
        %dma_start3A_74 = arith.constant 0 : i32
        %dma_start3A_75 = tpu.memref_slice %arg9[%add3A_73, %dma_start3A_74] : memref<64x128xi32, #tpu.memory_space<vmem>> -> memref<1x128xi32, #tpu.memory_space<vmem>>
        %dma_start3A_76 = tpu.memref_squeeze %dma_start3A_75 : memref<1x128xi32, #tpu.memory_space<vmem>> -> memref<128xi32, #tpu.memory_space<vmem>>
        %dma_start3A_77 = arith.constant 0 : i32
        %dma_start3A_78 = arith.constant 0 : i32
        %dma_start3A_79 = tpu.memref_slice %arg2[%dma_start3A_77, %dma_start3A_78] : memref<16384x128xf32, #tpu.memory_space<hbm>> -> memref<16384x128xf32, #tpu.memory_space<hbm>>
        tpu.enqueue_indirect_dma source(%dma_start3A_79 : memref<16384x128xf32, #tpu.memory_space<hbm>>) target(%arg7 : memref<128x128xf32, #tpu.memory_space<vmem>>) offsets(%dma_start3A_76 : memref<128xi32, #tpu.memory_space<vmem>>) semaphore(%arg12 : memref<!tpu.dma_semaphore, #tpu.memory_space<semaphore_mem>>)
      } else {
      }
      %add3A_62 = arith.constant 1 : i32
      %add3A_63 = arith.addi %mul3A_44, %add3A_62 : i32
      %dma_wait3A_64 = arith.constant 0 : i32
      %dma_wait3A_65 = tpu.memref_slice %arg9[%add3A_63, %dma_wait3A_64] : memref<64x128xi32, #tpu.memory_space<vmem>> -> memref<1x128xi32, #tpu.memory_space<vmem>>
      %dma_wait3A_66 = tpu.memref_squeeze %dma_wait3A_65 : memref<1x128xi32, #tpu.memory_space<vmem>> -> memref<128xi32, #tpu.memory_space<vmem>>
      %dma_wait3A_67 = arith.constant 0 : i32
      %dma_wait3A_68 = arith.constant 0 : i32
      %dma_wait3A_69 = tpu.memref_slice %arg2[%dma_wait3A_67, %dma_wait3A_68] : memref<16384x128xf32, #tpu.memory_space<hbm>> -> memref<16384x128xf32, #tpu.memory_space<hbm>>
      tpu.wait_indirect_dma semaphore(%arg13 : memref<!tpu.dma_semaphore, #tpu.memory_space<semaphore_mem>>) src(%dma_wait3A_69 : memref<16384x128xf32, #tpu.memory_space<hbm>>) dst(%arg8 : memref<128x128xf32, #tpu.memory_space<vmem>>)
      %add3A_70 = arith.constant 1 : i32
      %add3A_71 = arith.addi %mul3A_44, %add3A_70 : i32
      "tpu.region"() ({
        %run_scoped3A = tpu.sem_alloc : memref<!tpu.dma_semaphore, #tpu.memory_space<semaphore_mem>>
        %dma_start3A_72 = arith.constant 0 : i32
        %dma_start3A_73 = tpu.memref_slice %arg10[%add3A_71, %dma_start3A_72] : memref<64x128xi32, #tpu.memory_space<vmem>> -> memref<1x128xi32, #tpu.memory_space<vmem>>
        %dma_start3A_74 = tpu.memref_squeeze %dma_start3A_73 : memref<1x128xi32, #tpu.memory_space<vmem>> -> memref<128xi32, #tpu.memory_space<vmem>>
        %dma_start3A_75 = arith.constant 0 : i32
        %dma_start3A_76 = arith.constant 0 : i32
        %dma_start3A_77 = tpu.memref_slice %arg11[%dma_start3A_75, %dma_start3A_76] : memref<10240x128xf32, #tpu.memory_space<vmem_shared>> -> memref<10240x128xf32, #tpu.memory_space<vmem_shared>>
        tpu.enqueue_indirect_dma source(%arg8 : memref<128x128xf32, #tpu.memory_space<vmem>>) target(%dma_start3A_77 : memref<10240x128xf32, #tpu.memory_space<vmem_shared>>) offsets(%dma_start3A_74 : memref<128xi32, #tpu.memory_space<vmem>>) semaphore(%run_scoped3A : memref<!tpu.dma_semaphore, #tpu.memory_space<semaphore_mem>>) {add = true}
        %dma_wait3A_78 = arith.constant 0 : i32
        %dma_wait3A_79 = tpu.memref_slice %arg10[%add3A_71, %dma_wait3A_78] : memref<64x128xi32, #tpu.memory_space<vmem>> -> memref<1x128xi32, #tpu.memory_space<vmem>>
        %dma_wait3A_80 = tpu.memref_squeeze %dma_wait3A_79 : memref<1x128xi32, #tpu.memory_space<vmem>> -> memref<128xi32, #tpu.memory_space<vmem>>
        %dma_wait3A_81 = arith.constant 0 : i32
        %dma_wait3A_82 = arith.constant 0 : i32
        %dma_wait3A_83 = tpu.memref_slice %arg11[%dma_wait3A_81, %dma_wait3A_82] : memref<10240x128xf32, #tpu.memory_space<vmem_shared>> -> memref<10240x128xf32, #tpu.memory_space<vmem_shared>>
        tpu.wait_indirect_dma semaphore(%run_scoped3A : memref<!tpu.dma_semaphore, #tpu.memory_space<semaphore_mem>>) src(%arg8 : memref<128x128xf32, #tpu.memory_space<vmem>>) dst(%dma_wait3A_83 : memref<10240x128xf32, #tpu.memory_space<vmem_shared>>)
        tpu.yield
      }) : () -> ()
    }
    %scan3A_33 = arith.constant 32 : i32
    %barrier3A_34 = arith.constant 0 : index
    tpu.barrier barrier_id(%barrier3A_34)
    %mul3A_35 = arith.constant 512 : i32
    %mul3A_36 = arith.muli %arg1, %mul3A_35 : i32
    %mul3A_37 = arith.constant 8192 : i32
    %mul3A_38 = arith.muli %arg0, %mul3A_37 : i32
    %mul3A_39 = arith.constant 512 : i32
    %mul3A_40 = arith.muli %arg1, %mul3A_39 : i32
    %add3A_41 = arith.addi %mul3A_38, %mul3A_40 : i32
    "tpu.region"() ({
      %run_scoped3A = tpu.sem_alloc : memref<!tpu.dma_semaphore, #tpu.memory_space<semaphore_mem>>
      %dma_start3A_42 = arith.constant 0 : i32
      %dma_start3A_43 = tpu.memref_slice %arg6[%add3A_41, %dma_start3A_42] : memref<16384x128xf32, #tpu.memory_space<hbm>> -> memref<512x128xf32, #tpu.memory_space<hbm>>
      %dma_start3A_44 = arith.constant 0 : i32
      %dma_start3A_45 = tpu.memref_slice %arg11[%mul3A_36, %dma_start3A_44] : memref<10240x128xf32, #tpu.memory_space<vmem_shared>> -> memref<512x128xf32, #tpu.memory_space<vmem_shared>>
      tpu.enqueue_dma source(%dma_start3A_45 : memref<512x128xf32, #tpu.memory_space<vmem_shared>>) target(%dma_start3A_43 : memref<512x128xf32, #tpu.memory_space<hbm>>) target_semaphore(%run_scoped3A : memref<!tpu.dma_semaphore, #tpu.memory_space<semaphore_mem>>)
      %dma_wait3A = arith.constant 0 : i32
      %dma_wait3A_46 = tpu.memref_slice %arg6[%add3A_41, %dma_wait3A] : memref<16384x128xf32, #tpu.memory_space<hbm>> -> memref<512x128xf32, #tpu.memory_space<hbm>>
      %dma_wait3A_47 = arith.constant 0 : i32
      %dma_wait3A_48 = tpu.memref_slice %arg11[%mul3A_36, %dma_wait3A_47] : memref<10240x128xf32, #tpu.memory_space<vmem_shared>> -> memref<512x128xf32, #tpu.memory_space<vmem_shared>>
      tpu.wait_dma2 semaphore(%run_scoped3A : memref<!tpu.dma_semaphore, #tpu.memory_space<semaphore_mem>>) src(%dma_wait3A_48 : memref<512x128xf32, #tpu.memory_space<vmem_shared>>) dst(%dma_wait3A_46 : memref<512x128xf32, #tpu.memory_space<hbm>>)
      tpu.yield
    }) : () -> ()
    return
  }
}

module attributes {stable_mosaic.version = 14 : i64} {
  func.func @_a_body(%arg0: i32, %arg1: memref<8xi32, #tpu.memory_space<smem>>, %arg2: memref<1x1x32768xi32, #tpu.memory_space<vmem>>, %arg3: memref<1x1x32768xi32, #tpu.memory_space<vmem>>, %arg4: memref<1x1x32768xi32, #tpu.memory_space<vmem>>, %arg5: memref<1x2048x128xf32, #tpu.memory_space<vmem>>, %arg6: memref<128x128xf32, #tpu.memory_space<vmem>>, %arg7: memref<1x128xf32, #tpu.memory_space<vmem>>, %arg8: memref<128x128xf32, #tpu.memory_space<vmem>>, %arg9: memref<1x2048x128xf32, #tpu.memory_space<vmem>>, %arg10: memref<1x2048x128xf32, #tpu.memory_space<vmem>>, %arg11: memref<1x2048x16xf32, #tpu.memory_space<vmem>>, %arg12: memref<1x1x32768xi32, #tpu.memory_space<vmem>>, %arg13: memref<1x1x32768xi32, #tpu.memory_space<vmem>>) attributes {dimension_semantics = [#tpu.dimension_semantics<arbitrary>], iteration_bounds = array<i64: 8>, scalar_prefetch = 0 : i64, scratch_operands = 0 : i64, tpu.core_type = #tpu.core_type<tc>, window_params = [{transform_indices = @transform_0, window_bounds = array<i64: 8>}, {transform_indices = @transform_1, window_bounds = array<i64: 1, 1, 32768>}, {transform_indices = @transform_2, window_bounds = array<i64: 1, 1, 32768>}, {transform_indices = @transform_3, window_bounds = array<i64: 1, 1, 32768>}, {transform_indices = @transform_4, window_bounds = array<i64: 1, 2048, 128>}, {pipeline_mode = #tpu.pipeline_mode<synchronous>, transform_indices = @transform_5, window_bounds = array<i64: 128, 128>}, {pipeline_mode = #tpu.pipeline_mode<synchronous>, transform_indices = @transform_6, window_bounds = array<i64: 1, 128>}, {pipeline_mode = #tpu.pipeline_mode<synchronous>, transform_indices = @transform_7, window_bounds = array<i64: 128, 128>}, {transform_indices = @transform_8, window_bounds = array<i64: 1, 2048, 128>}, {transform_indices = @transform_9, window_bounds = array<i64: 1, 2048, 128>}, {transform_indices = @transform_10, window_bounds = array<i64: 1, 2048, 16>}, {transform_indices = @transform_11, window_bounds = array<i64: 1, 1, 32768>}, {transform_indices = @transform_12, window_bounds = array<i64: 1, 1, 32768>}]} {
    %get3A = arith.index_cast %arg0 : i32 to index
    %get3A_0 = memref.load %arg1[%get3A] : memref<8xi32, #tpu.memory_space<smem>>
    %get3A_1 = arith.constant 0 : index
    %get3A_2 = arith.constant 0 : index
    %get3A_3 = arith.constant 0 : index
    %get3A_4 = vector.load %arg5[%get3A_1, %get3A_2, %get3A_3] : memref<1x2048x128xf32, #tpu.memory_space<vmem>>, vector<1x2048x128xf32>
    %get3A_5 = vector.shape_cast %get3A_4 : vector<1x2048x128xf32> to vector<2048x128xf32>
    %get3A_6 = arith.constant 0 : index
    %get3A_7 = arith.constant 0 : index
    %get3A_8 = vector.load %arg6[%get3A_6, %get3A_7] : memref<128x128xf32, #tpu.memory_space<vmem>>, vector<128x128xf32>
    %dot_general3A = arith.constant dense<0.000000e+00> : vector<2048x128xf32>
    %dot_general3A_9 = tpu.matmul %get3A_5, %get3A_8, %dot_general3A {dimension_numbers = #tpu.dot_dimension_numbers<[1], [1], [0], [0], [0, 0, 1, 0], [], []>, transpose_lhs_hint = false} : vector<2048x128xf32>, vector<128x128xf32>, vector<2048x128xf32> -> vector<2048x128xf32>
    %get3A_10 = arith.constant 0 : index
    %get3A_11 = arith.constant 0 : index
    %get3A_12 = vector.load %arg7[%get3A_10, %get3A_11] : memref<1x128xf32, #tpu.memory_space<vmem>>, vector<1x128xf32>
    %get3A_13 = vector.shape_cast %get3A_12 : vector<1x128xf32> to vector<128xf32>
    %broadcast_in_dim3A = vector.shape_cast %get3A_13 : vector<128xf32> to vector<1x128xf32>
    %add3A = vector.broadcast %broadcast_in_dim3A : vector<1x128xf32> to vector<2048x128xf32>
    %add3A_14 = arith.addf %dot_general3A_9, %add3A : vector<2048x128xf32>
    %swap3A = arith.constant 0 : index
    %swap3A_15 = arith.constant 0 : index
    %swap3A_16 = arith.constant 0 : index
    %swap3A_17 = vector.load %arg9[%swap3A, %swap3A_15, %swap3A_16] : memref<1x2048x128xf32, #tpu.memory_space<vmem>>, vector<1x2048x128xf32>
    %swap3A_18 = vector.shape_cast %swap3A_17 : vector<1x2048x128xf32> to vector<2048x128xf32>
    %swap3A_19 = vector.shape_cast %add3A_14 : vector<2048x128xf32> to vector<1x2048x128xf32>
    tpu.vector_store %arg9[%swap3A, %swap3A_15, %swap3A_16], %swap3A_19 {strides = array<i32>} : memref<1x2048x128xf32, #tpu.memory_space<vmem>>, vector<1x2048x128xf32>,
    %get3A_20 = arith.constant 0 : index
    %get3A_21 = arith.constant 0 : index
    %get3A_22 = vector.load %arg8[%get3A_20, %get3A_21] : memref<128x128xf32, #tpu.memory_space<vmem>>, vector<128x128xf32>
    %dot_general3A_23 = arith.constant dense<0.000000e+00> : vector<2048x128xf32>
    %dot_general3A_24 = tpu.matmul %add3A_14, %get3A_22, %dot_general3A_23 {dimension_numbers = #tpu.dot_dimension_numbers<[1], [1], [0], [0], [0, 0, 1, 0], [], []>, transpose_lhs_hint = false} : vector<2048x128xf32>, vector<128x128xf32>, vector<2048x128xf32> -> vector<2048x128xf32>
    %swap3A_25 = arith.constant 0 : index
    %swap3A_26 = arith.constant 0 : index
    %swap3A_27 = arith.constant 0 : index
    %swap3A_28 = vector.load %arg10[%swap3A_25, %swap3A_26, %swap3A_27] : memref<1x2048x128xf32, #tpu.memory_space<vmem>>, vector<1x2048x128xf32>
    %swap3A_29 = vector.shape_cast %swap3A_28 : vector<1x2048x128xf32> to vector<2048x128xf32>
    %swap3A_30 = vector.shape_cast %dot_general3A_24 : vector<2048x128xf32> to vector<1x2048x128xf32>
    tpu.vector_store %arg10[%swap3A_25, %swap3A_26, %swap3A_27], %swap3A_30 {strides = array<i32>} : memref<1x2048x128xf32, #tpu.memory_space<vmem>>, vector<1x2048x128xf32>,
    %get3A_31 = arith.constant 0 : index
    %get3A_32 = arith.constant 0 : index
    %get3A_33 = arith.constant 0 : index
    %get3A_34 = vector.load %arg2[%get3A_31, %get3A_32, %get3A_33] : memref<1x1x32768xi32, #tpu.memory_space<vmem>>, vector<1x1x32768xi32>
    %get3A_35 = vector.shape_cast %get3A_34 : vector<1x1x32768xi32> to vector<32768xi32>
    %get3A_36 = arith.constant 0 : index
    %get3A_37 = arith.constant 0 : index
    %get3A_38 = arith.constant 0 : index
    %get3A_39 = vector.load %arg3[%get3A_36, %get3A_37, %get3A_38] : memref<1x1x32768xi32, #tpu.memory_space<vmem>>, vector<1x1x32768xi32>
    %get3A_40 = vector.shape_cast %get3A_39 : vector<1x1x32768xi32> to vector<32768xi32>
    %lt3A = vector.broadcast %get3A_0 : i32 to vector<32768xi32>
    %lt3A_41 = arith.cmpi slt, %get3A_35, %lt3A : vector<32768xi32>
    %lt3A_42 = vector.broadcast %get3A_0 : i32 to vector<32768xi32>
    %lt3A_43 = arith.cmpi slt, %get3A_40, %lt3A_42 : vector<32768xi32>
    %and3A = arith.andi %lt3A_41, %lt3A_43 : vector<32768xi1>
    %jit3A = arith.constant 4 : i32
    %div3A = arith.divsi %arg0, %jit3A : i32
    %sign3A = arith.constant 0 : i32
    %sign3A_44 = arith.cmpi sgt, %arg0, %sign3A : i32
    %sign3A_45 = arith.extui %sign3A_44 : i1 to i32
    %sign3A_46 = arith.constant 0 : i32
    %sign3A_47 = arith.cmpi slt, %arg0, %sign3A_46 : i32
    %sign3A_48 = arith.extui %sign3A_47 : i1 to i32
    %sign3A_49 = arith.subi %sign3A_45, %sign3A_48 : i32
    %sign3A_50 = arith.constant 0 : i32
    %sign3A_51 = arith.cmpi sgt, %jit3A, %sign3A_50 : i32
    %sign3A_52 = arith.extui %sign3A_51 : i1 to i32
    %sign3A_53 = arith.constant 0 : i32
    %sign3A_54 = arith.cmpi slt, %jit3A, %sign3A_53 : i32
    %sign3A_55 = arith.extui %sign3A_54 : i1 to i32
    %sign3A_56 = arith.subi %sign3A_52, %sign3A_55 : i32
    %ne3A = arith.cmpi ne, %sign3A_49, %sign3A_56 : i32
    %rem3A = arith.remsi %arg0, %jit3A : i32
    %ne3A_57 = arith.constant 0 : i32
    %ne3A_58 = arith.cmpi ne, %rem3A, %ne3A_57 : i32
    %and3A_59 = arith.andi %ne3A, %ne3A_58 : i1
    %sub3A = arith.constant 1 : i32
    %sub3A_60 = arith.subi %div3A, %sub3A : i32
    %select_n3A = arith.select %and3A_59, %sub3A_60, %div3A : i32
    %mul3A = arith.constant 4 : i32
    %mul3A_61 = arith.muli %select_n3A, %mul3A : i32
    %sub3A_62 = arith.subi %arg0, %mul3A_61 : i32
    %mul3A_63 = arith.constant 2048 : i32
    %mul3A_64 = arith.muli %arg0, %mul3A_63 : i32
    %add3A_65 = vector.broadcast %mul3A_64 : i32 to vector<32768xi32>
    %add3A_66 = arith.addi %get3A_35, %add3A_65 : vector<32768xi32>
    %swap3A_67 = arith.constant 0 : index
    %swap3A_68 = arith.constant 0 : index
    %swap3A_69 = arith.constant 0 : index
    %swap3A_70 = vector.load %arg12[%swap3A_67, %swap3A_68, %swap3A_69] : memref<1x1x32768xi32, #tpu.memory_space<vmem>>, vector<1x1x32768xi32>
    %swap3A_71 = vector.shape_cast %swap3A_70 : vector<1x1x32768xi32> to vector<32768xi32>
    %swap3A_72 = vector.shape_cast %add3A_66 : vector<32768xi32> to vector<1x1x32768xi32>
    tpu.vector_store %arg12[%swap3A_67, %swap3A_68, %swap3A_69], %swap3A_72 {strides = array<i32>} : memref<1x1x32768xi32, #tpu.memory_space<vmem>>, vector<1x1x32768xi32>,
    %mul3A_73 = arith.constant 2048 : i32
    %mul3A_74 = arith.muli %sub3A_62, %mul3A_73 : i32
    %add3A_75 = vector.broadcast %mul3A_74 : i32 to vector<32768xi32>
    %add3A_76 = arith.addi %get3A_40, %add3A_75 : vector<32768xi32>
    %jit3A_77 = arith.constant 8192 : i32
    %broadcast_in_dim3A_78 = vector.broadcast %jit3A_77 : i32 to vector<32768xi32>
    %select_n3A_79 = arith.select %and3A, %add3A_76, %broadcast_in_dim3A_78 : vector<32768xi1>, vector<32768xi32>
    %swap3A_80 = arith.constant 0 : index
    %swap3A_81 = arith.constant 0 : index
    %swap3A_82 = arith.constant 0 : index
    %swap3A_83 = vector.load %arg13[%swap3A_80, %swap3A_81, %swap3A_82] : memref<1x1x32768xi32, #tpu.memory_space<vmem>>, vector<1x1x32768xi32>
    %swap3A_84 = vector.shape_cast %swap3A_83 : vector<1x1x32768xi32> to vector<32768xi32>
    %swap3A_85 = vector.shape_cast %select_n3A_79 : vector<32768xi32> to vector<1x1x32768xi32>
    tpu.vector_store %arg13[%swap3A_80, %swap3A_81, %swap3A_82], %swap3A_85 {strides = array<i32>} : memref<1x1x32768xi32, #tpu.memory_space<vmem>>, vector<1x1x32768xi32>,
    %iota3A = tpu.iota {dimensions = array<i32: 1>} : vector<512x16xi32>
    %iota3A_86 = tpu.iota {dimensions = array<i32: 1>} : vector<512x2048xi32>
    %broadcast_in_dim3A_87 = arith.constant 0.000000e+00 : f32
    %broadcast_in_dim3A_88 = vector.broadcast %broadcast_in_dim3A_87 : f32 to vector<2048x16xf32>
    %scan3A = arith.constant 0 : i32
    %scan3A_89 = arith.constant 0 : i32
    %scan3A_90 = arith.constant 64 : i32
    %scan3A_91 = arith.addi %scan3A_89, %scan3A_90 : i32
    %scan3A_92 = arith.constant 1 : i32
    %scan3A_93:2 = scf.for %scan3A_100 = %scan3A_89 to %scan3A_91 step %scan3A_92 iter_args(%scan3A_101 = %scan3A, %scan3A_102 = %broadcast_in_dim3A_88) -> (i32, vector<2048x16xf32>)  : i32 {
      %multiple_of3A = tpu.assume_multiple %scan3A_101, 512 : i32
      %get3A_103 = arith.constant 0 : index
      %get3A_104 = arith.constant 0 : index
      %get3A_105 = arith.index_cast %multiple_of3A : i32 to index
      %get3A_106 = vector.load %arg3[%get3A_103, %get3A_104, %get3A_105] : memref<1x1x32768xi32, #tpu.memory_space<vmem>>, vector<1x1x512xi32>
      %get3A_107 = vector.shape_cast %get3A_106 : vector<1x1x512xi32> to vector<512xi32>
      %reshape3A = vector.shape_cast %get3A_107 : vector<512xi32> to vector<512x1xi32>
      %get3A_108 = arith.constant 0 : index
      %get3A_109 = arith.constant 0 : index
      %get3A_110 = arith.index_cast %multiple_of3A : i32 to index
      %get3A_111 = vector.load %arg2[%get3A_108, %get3A_109, %get3A_110] : memref<1x1x32768xi32, #tpu.memory_space<vmem>>, vector<1x1x512xi32>
      %get3A_112 = vector.shape_cast %get3A_111 : vector<1x1x512xi32> to vector<512xi32>
      %reshape3A_113 = vector.shape_cast %get3A_112 : vector<512xi32> to vector<512x1xi32>
      %get3A_114 = arith.constant 0 : index
      %get3A_115 = arith.constant 0 : index
      %get3A_116 = arith.index_cast %multiple_of3A : i32 to index
      %get3A_117 = vector.load %arg4[%get3A_114, %get3A_115, %get3A_116] : memref<1x1x32768xi32, #tpu.memory_space<vmem>>, vector<1x1x512xi32>
      %get3A_118 = vector.shape_cast %get3A_117 : vector<1x1x512xi32> to vector<512xi32>
      %reshape3A_119 = vector.shape_cast %get3A_118 : vector<512xi32> to vector<512x1xi32>
      %lt3A_120 = vector.broadcast %get3A_0 : i32 to vector<512x1xi32>
      %lt3A_121 = arith.cmpi slt, %reshape3A_113, %lt3A_120 : vector<512x1xi32>
      %lt3A_122 = vector.broadcast %get3A_0 : i32 to vector<512x1xi32>
      %lt3A_123 = arith.cmpi slt, %reshape3A, %lt3A_122 : vector<512x1xi32>
      %and3A_124 = arith.andi %lt3A_121, %lt3A_123 : vector<512x1xi1>
      %eq3A = vector.broadcast %reshape3A : vector<512x1xi32> to vector<512x2048xi32>
      %eq3A_125 = arith.cmpi eq, %eq3A, %iota3A_86 : vector<512x2048xi32>
      %and3A_126 = vector.broadcast %and3A_124 : vector<512x1xi1> to vector<512x2048xi1>
      %and3A_127 = arith.andi %eq3A_125, %and3A_126 : vector<512x2048xi1>
      %convert_element_type3A = arith.extui %and3A_127 : vector<512x2048xi1> to vector<512x2048xi32>
      %convert_element_type3A_128 = arith.sitofp %convert_element_type3A : vector<512x2048xi32> to vector<512x2048xf32>
      %eq3A_129 = vector.broadcast %reshape3A_119 : vector<512x1xi32> to vector<512x16xi32>
      %eq3A_130 = arith.cmpi eq, %eq3A_129, %iota3A : vector<512x16xi32>
      %convert_element_type3A_131 = arith.extui %eq3A_130 : vector<512x16xi1> to vector<512x16xi32>
      %convert_element_type3A_132 = arith.sitofp %convert_element_type3A_131 : vector<512x16xi32> to vector<512x16xf32>
      %add3A_133 = arith.constant 512 : i32
      %add3A_134 = arith.addi %multiple_of3A, %add3A_133 : i32
      %dot_general3A_135 = arith.constant dense<0.000000e+00> : vector<2048x16xf32>
      %dot_general3A_136 = tpu.matmul %convert_element_type3A_128, %convert_element_type3A_132, %dot_general3A_135 {dimension_numbers = #tpu.dot_dimension_numbers<[0], [0], [1], [1], [0, 1, 1, 1], [], []>, transpose_lhs_hint = false} : vector<512x2048xf32>, vector<512x16xf32>, vector<2048x16xf32> -> vector<2048x16xf32>
      %add3A_137 = arith.addf %scan3A_102, %dot_general3A_136 : vector<2048x16xf32>
      scf.yield %add3A_134, %add3A_137 : i32, vector<2048x16xf32>
    }
    %swap3A_94 = arith.constant 0 : index
    %swap3A_95 = arith.constant 0 : index
    %swap3A_96 = arith.constant 0 : index
    %swap3A_97 = vector.load %arg11[%swap3A_94, %swap3A_95, %swap3A_96] : memref<1x2048x16xf32, #tpu.memory_space<vmem>>, vector<1x2048x16xf32>
    %swap3A_98 = vector.shape_cast %swap3A_97 : vector<1x2048x16xf32> to vector<2048x16xf32>
    %swap3A_99 = vector.shape_cast %scan3A_93#1 : vector<2048x16xf32> to vector<1x2048x16xf32>
    tpu.vector_store %arg11[%swap3A_94, %swap3A_95, %swap3A_96], %swap3A_99 {strides = array<i32>} : memref<1x2048x16xf32, #tpu.memory_space<vmem>>, vector<1x2048x16xf32>,
    return
  }
  func.func @transform_0(%arg0: i32) -> i32 {
    %c0_i32 = arith.constant 0 : i32
    %c0_i32_0 = arith.constant 0 : i32
    return %c0_i32 : i32
  }
  func.func @transform_1(%arg0: i32) -> (i32, i32, i32) {
    %c0_i32 = arith.constant 0 : i32
    %c0_i32_0 = arith.constant 0 : i32
    %c0_i32_1 = arith.constant 0 : i32
    return %arg0, %c0_i32, %c0_i32_0 : i32, i32, i32
  }
  func.func @transform_2(%arg0: i32) -> (i32, i32, i32) {
    %c0_i32 = arith.constant 0 : i32
    %c0_i32_0 = arith.constant 0 : i32
    %c0_i32_1 = arith.constant 0 : i32
    return %arg0, %c0_i32, %c0_i32_0 : i32, i32, i32
  }
  func.func @transform_3(%arg0: i32) -> (i32, i32, i32) {
    %c0_i32 = arith.constant 0 : i32
    %c0_i32_0 = arith.constant 0 : i32
    %c0_i32_1 = arith.constant 0 : i32
    return %arg0, %c0_i32, %c0_i32_0 : i32, i32, i32
  }
  func.func @transform_4(%arg0: i32) -> (i32, i32, i32) {
    %c0_i32 = arith.constant 0 : i32
    %c0_i32_0 = arith.constant 0 : i32
    %c0_i32_1 = arith.constant 0 : i32
    return %arg0, %c0_i32, %c0_i32_0 : i32, i32, i32
  }
  func.func @transform_5(%arg0: i32) -> (i32, i32) {
    %c0_i32 = arith.constant 0 : i32
    %c0_i32_0 = arith.constant 0 : i32
    %c0_i32_1 = arith.constant 0 : i32
    return %c0_i32, %c0_i32_0 : i32, i32
  }
  func.func @transform_6(%arg0: i32) -> (i32, i32) {
    %c0_i32 = arith.constant 0 : i32
    %c0_i32_0 = arith.constant 0 : i32
    %c0_i32_1 = arith.constant 0 : i32
    return %c0_i32, %c0_i32_0 : i32, i32
  }
  func.func @transform_7(%arg0: i32) -> (i32, i32) {
    %c0_i32 = arith.constant 0 : i32
    %c0_i32_0 = arith.constant 0 : i32
    %c0_i32_1 = arith.constant 0 : i32
    return %c0_i32, %c0_i32_0 : i32, i32
  }
  func.func @transform_8(%arg0: i32) -> (i32, i32, i32) {
    %c0_i32 = arith.constant 0 : i32
    %c0_i32_0 = arith.constant 0 : i32
    %c0_i32_1 = arith.constant 0 : i32
    return %arg0, %c0_i32, %c0_i32_0 : i32, i32, i32
  }
  func.func @transform_9(%arg0: i32) -> (i32, i32, i32) {
    %c0_i32 = arith.constant 0 : i32
    %c0_i32_0 = arith.constant 0 : i32
    %c0_i32_1 = arith.constant 0 : i32
    return %arg0, %c0_i32, %c0_i32_0 : i32, i32, i32
  }
  func.func @transform_10(%arg0: i32) -> (i32, i32, i32) {
    %c0_i32 = arith.constant 0 : i32
    %c0_i32_0 = arith.constant 0 : i32
    %c0_i32_1 = arith.constant 0 : i32
    return %arg0, %c0_i32, %c0_i32_0 : i32, i32, i32
  }
  func.func @transform_11(%arg0: i32) -> (i32, i32, i32) {
    %c0_i32 = arith.constant 0 : i32
    %c0_i32_0 = arith.constant 0 : i32
    %c0_i32_1 = arith.constant 0 : i32
    return %arg0, %c0_i32, %c0_i32_0 : i32, i32, i32
  }
  func.func @transform_12(%arg0: i32) -> (i32, i32, i32) {
    %c0_i32 = arith.constant 0 : i32
    %c0_i32_0 = arith.constant 0 : i32
    %c0_i32_1 = arith.constant 0 : i32
    return %arg0, %c0_i32, %c0_i32_0 : i32, i32, i32
  }
}

module attributes {stable_mosaic.version = 14 : i64} {
  func.func @_d_body(%arg0: i32, %arg1: memref<8xi32, #tpu.memory_space<smem>>, %arg2: memref<1x2048x128xf32, #tpu.memory_space<vmem>>, %arg3: memref<1x2048x128xf32, #tpu.memory_space<vmem>>, %arg4: memref<1x2048x16xf32, #tpu.memory_space<vmem>>, %arg5: memref<16x128xf32, #tpu.memory_space<vmem>>, %arg6: memref<1x128xf32, #tpu.memory_space<vmem>>, %arg7: memref<384x128xf32, #tpu.memory_space<vmem>>, %arg8: memref<1x384xf32, #tpu.memory_space<vmem>>, %arg9: memref<384x128xf32, #tpu.memory_space<vmem>>, %arg10: memref<1x384xf32, #tpu.memory_space<vmem>>, %arg11: memref<128x128xf32, #tpu.memory_space<vmem>>, %arg12: memref<1x2048x128xf32, #tpu.memory_space<vmem>>, %arg13: memref<1x2048x128xf32, #tpu.memory_space<vmem>>) attributes {dimension_semantics = [#tpu.dimension_semantics<arbitrary>], iteration_bounds = array<i64: 8>, scalar_prefetch = 0 : i64, scratch_operands = 0 : i64, tpu.core_type = #tpu.core_type<tc>, window_params = [{transform_indices = @transform_0, window_bounds = array<i64: 8>}, {transform_indices = @transform_1, window_bounds = array<i64: 1, 2048, 128>}, {transform_indices = @transform_2, window_bounds = array<i64: 1, 2048, 128>}, {transform_indices = @transform_3, window_bounds = array<i64: 1, 2048, 16>}, {pipeline_mode = #tpu.pipeline_mode<synchronous>, transform_indices = @transform_4, window_bounds = array<i64: 16, 128>}, {pipeline_mode = #tpu.pipeline_mode<synchronous>, transform_indices = @transform_5, window_bounds = array<i64: 1, 128>}, {pipeline_mode = #tpu.pipeline_mode<synchronous>, transform_indices = @transform_6, window_bounds = array<i64: 384, 128>}, {pipeline_mode = #tpu.pipeline_mode<synchronous>, transform_indices = @transform_7, window_bounds = array<i64: 1, 384>}, {pipeline_mode = #tpu.pipeline_mode<synchronous>, transform_indices = @transform_8, window_bounds = array<i64: 384, 128>}, {pipeline_mode = #tpu.pipeline_mode<synchronous>, transform_indices = @transform_9, window_bounds = array<i64: 1, 384>}, {pipeline_mode = #tpu.pipeline_mode<synchronous>, transform_indices = @transform_10, window_bounds = array<i64: 128, 128>}, {transform_indices = @transform_11, window_bounds = array<i64: 1, 2048, 128>}, {transform_indices = @transform_12, window_bounds = array<i64: 1, 2048, 128>}]} {
    %get3A = arith.index_cast %arg0 : i32 to index
    %get3A_0 = memref.load %arg1[%get3A] : memref<8xi32, #tpu.memory_space<smem>>
    %get3A_1 = arith.constant 0 : index
    %get3A_2 = arith.constant 0 : index
    %get3A_3 = arith.constant 0 : index
    %get3A_4 = vector.load %arg2[%get3A_1, %get3A_2, %get3A_3] : memref<1x2048x128xf32, #tpu.memory_space<vmem>>, vector<1x2048x128xf32>
    %get3A_5 = vector.shape_cast %get3A_4 : vector<1x2048x128xf32> to vector<2048x128xf32>
    %get3A_6 = arith.constant 0 : index
    %get3A_7 = arith.constant 0 : index
    %get3A_8 = arith.constant 0 : index
    %get3A_9 = vector.load %arg4[%get3A_6, %get3A_7, %get3A_8] : memref<1x2048x16xf32, #tpu.memory_space<vmem>>, vector<1x2048x16xf32>
    %get3A_10 = vector.shape_cast %get3A_9 : vector<1x2048x16xf32> to vector<2048x16xf32>
    %reduce_sum3A = arith.constant dense<0.000000e+00> : vector<2048xf32>
    %reduce_sum3A_11 = vector.multi_reduction <add>, %get3A_10, %reduce_sum3A [1] : vector<2048x16xf32> to vector<2048xf32>
    %broadcast_in_dim3A = vector.shape_cast %reduce_sum3A_11 : vector<2048xf32> to vector<2048x1xf32>
    %reduce_sum3A_12 = vector.shape_cast %broadcast_in_dim3A : vector<2048x1xf32> to vector<1x2048x1xf32>
    %reduce_sum3A_13 = arith.constant dense<0.000000e+00> : vector<1xf32>
    %reduce_sum3A_14 = vector.multi_reduction <add>, %reduce_sum3A_12, %reduce_sum3A_13 [1, 2] : vector<1x2048x1xf32> to vector<1xf32>
    %reduce_sum3A_15 = vector.shape_cast %reduce_sum3A_14 : vector<1xf32> to vector<1x1x1xf32>
    %reduce_sum3A_16 = vector.extract %reduce_sum3A_15[0, 0, 0] : f32 from vector<1x1x1xf32>
    %gt3A = arith.constant 5.000000e-01 : f32
    %gt3A_17 = arith.cmpf ogt, %reduce_sum3A_16, %gt3A : f32
    %get3A_18 = arith.constant 0 : index
    %get3A_19 = arith.constant 0 : index
    %get3A_20 = arith.constant 0 : index
    %get3A_21 = vector.load %arg3[%get3A_18, %get3A_19, %get3A_20] : memref<1x2048x128xf32, #tpu.memory_space<vmem>>, vector<1x2048x128xf32>
    %get3A_22 = vector.shape_cast %get3A_21 : vector<1x2048x128xf32> to vector<2048x128xf32>
    %get3A_23 = arith.constant 0 : index
    %get3A_24 = arith.constant 0 : index
    %get3A_25 = vector.load %arg5[%get3A_23, %get3A_24] : memref<16x128xf32, #tpu.memory_space<vmem>>, vector<16x128xf32>
    %dot_general3A = arith.constant dense<0.000000e+00> : vector<2048x128xf32>
    %dot_general3A_26 = tpu.matmul %get3A_10, %get3A_25, %dot_general3A {dimension_numbers = #tpu.dot_dimension_numbers<[1], [0], [0], [1], [0, 0, 1, 1], [], []>, transpose_lhs_hint = false} : vector<2048x16xf32>, vector<16x128xf32>, vector<2048x128xf32> -> vector<2048x128xf32>
    %add3A = arith.addf %get3A_22, %dot_general3A_26 : vector<2048x128xf32>
    %get3A_27 = arith.constant 0 : index
    %get3A_28 = arith.constant 0 : index
    %get3A_29 = vector.load %arg6[%get3A_27, %get3A_28] : memref<1x128xf32, #tpu.memory_space<vmem>>, vector<1x128xf32>
    %get3A_30 = vector.shape_cast %get3A_29 : vector<1x128xf32> to vector<128xf32>
    %broadcast_in_dim3A_31 = vector.shape_cast %get3A_30 : vector<128xf32> to vector<1x128xf32>
    %mul3A = vector.broadcast %broadcast_in_dim3A : vector<2048x1xf32> to vector<2048x128xf32>
    %mul3A_32 = vector.broadcast %broadcast_in_dim3A_31 : vector<1x128xf32> to vector<2048x128xf32>
    %mul3A_33 = arith.mulf %mul3A, %mul3A_32 : vector<2048x128xf32>
    %add3A_34 = arith.addf %add3A, %mul3A_33 : vector<2048x128xf32>
    %get3A_35 = arith.constant 0 : index
    %get3A_36 = arith.constant 0 : index
    %get3A_37 = vector.load %arg7[%get3A_35, %get3A_36] : memref<384x128xf32, #tpu.memory_space<vmem>>, vector<384x128xf32>
    %dot_general3A_38 = arith.constant dense<0.000000e+00> : vector<2048x384xf32>
    %dot_general3A_39 = tpu.matmul %add3A_34, %get3A_37, %dot_general3A_38 {dimension_numbers = #tpu.dot_dimension_numbers<[1], [1], [0], [0], [0, 0, 1, 0], [], []>, transpose_lhs_hint = false} : vector<2048x128xf32>, vector<384x128xf32>, vector<2048x384xf32> -> vector<2048x384xf32>
    %get3A_40 = arith.constant 0 : index
    %get3A_41 = arith.constant 0 : index
    %get3A_42 = vector.load %arg8[%get3A_40, %get3A_41] : memref<1x384xf32, #tpu.memory_space<vmem>>, vector<1x384xf32>
    %get3A_43 = vector.shape_cast %get3A_42 : vector<1x384xf32> to vector<384xf32>
    %broadcast_in_dim3A_44 = vector.shape_cast %get3A_43 : vector<384xf32> to vector<1x384xf32>
    %add3A_45 = vector.broadcast %broadcast_in_dim3A_44 : vector<1x384xf32> to vector<2048x384xf32>
    %add3A_46 = arith.addf %dot_general3A_39, %add3A_45 : vector<2048x384xf32>
    %get3A_47 = arith.constant 0 : index
    %get3A_48 = arith.constant 0 : index
    %get3A_49 = vector.load %arg9[%get3A_47, %get3A_48] : memref<384x128xf32, #tpu.memory_space<vmem>>, vector<384x128xf32>
    %dot_general3A_50 = arith.constant dense<0.000000e+00> : vector<2048x384xf32>
    %dot_general3A_51 = tpu.matmul %get3A_5, %get3A_49, %dot_general3A_50 {dimension_numbers = #tpu.dot_dimension_numbers<[1], [1], [0], [0], [0, 0, 1, 0], [], []>, transpose_lhs_hint = false} : vector<2048x128xf32>, vector<384x128xf32>, vector<2048x384xf32> -> vector<2048x384xf32>
    %get3A_52 = arith.constant 0 : index
    %get3A_53 = arith.constant 0 : index
    %get3A_54 = vector.load %arg10[%get3A_52, %get3A_53] : memref<1x384xf32, #tpu.memory_space<vmem>>, vector<1x384xf32>
    %get3A_55 = vector.shape_cast %get3A_54 : vector<1x384xf32> to vector<384xf32>
    %broadcast_in_dim3A_56 = vector.shape_cast %get3A_55 : vector<384xf32> to vector<1x384xf32>
    %add3A_57 = vector.broadcast %broadcast_in_dim3A_56 : vector<1x384xf32> to vector<2048x384xf32>
    %add3A_58 = arith.addf %dot_general3A_51, %add3A_57 : vector<2048x384xf32>
    %slice3A = vector.extract_strided_slice %add3A_46 {offsets = [0, 0], sizes = [2048, 128], strides = [1, 1]} : vector<2048x384xf32> to vector<2048x128xf32>
    %slice3A_59 = vector.extract_strided_slice %add3A_58 {offsets = [0, 0], sizes = [2048, 128], strides = [1, 1]} : vector<2048x384xf32> to vector<2048x128xf32>
    %add3A_60 = arith.addf %slice3A, %slice3A_59 : vector<2048x128xf32>
    %logistic3A = arith.negf %add3A_60 : vector<2048x128xf32>
    %logistic3A_61 = math.exp %logistic3A : vector<2048x128xf32>
    %logistic3A_62 = arith.constant 1.000000e+00 : f32
    %logistic3A_63 = vector.broadcast %logistic3A_62 : f32 to vector<2048x128xf32>
    %logistic3A_64 = arith.addf %logistic3A_63, %logistic3A_61 : vector<2048x128xf32>
    %logistic3A_65 = arith.divf %logistic3A_63, %logistic3A_64 : vector<2048x128xf32>
    %slice3A_66 = vector.extract_strided_slice %add3A_46 {offsets = [0, 128], sizes = [2048, 128], strides = [1, 1]} : vector<2048x384xf32> to vector<2048x128xf32>
    %slice3A_67 = vector.extract_strided_slice %add3A_58 {offsets = [0, 128], sizes = [2048, 128], strides = [1, 1]} : vector<2048x384xf32> to vector<2048x128xf32>
    %add3A_68 = arith.addf %slice3A_66, %slice3A_67 : vector<2048x128xf32>
    %logistic3A_69 = arith.negf %add3A_68 : vector<2048x128xf32>
    %logistic3A_70 = math.exp %logistic3A_69 : vector<2048x128xf32>
    %logistic3A_71 = arith.constant 1.000000e+00 : f32
    %logistic3A_72 = vector.broadcast %logistic3A_71 : f32 to vector<2048x128xf32>
    %logistic3A_73 = arith.addf %logistic3A_72, %logistic3A_70 : vector<2048x128xf32>
    %logistic3A_74 = arith.divf %logistic3A_72, %logistic3A_73 : vector<2048x128xf32>
    %slice3A_75 = vector.extract_strided_slice %add3A_46 {offsets = [0, 256], sizes = [2048, 128], strides = [1, 1]} : vector<2048x384xf32> to vector<2048x128xf32>
    %slice3A_76 = vector.extract_strided_slice %add3A_58 {offsets = [0, 256], sizes = [2048, 128], strides = [1, 1]} : vector<2048x384xf32> to vector<2048x128xf32>
    %mul3A_77 = arith.mulf %logistic3A_65, %slice3A_76 : vector<2048x128xf32>
    %add3A_78 = arith.addf %slice3A_75, %mul3A_77 : vector<2048x128xf32>
    %tanh3A = math.tanh %add3A_78 : vector<2048x128xf32>
    %sub3A = arith.constant 1.000000e+00 : f32
    %sub3A_79 = vector.broadcast %sub3A : f32 to vector<2048x128xf32>
    %sub3A_80 = arith.subf %sub3A_79, %logistic3A_74 : vector<2048x128xf32>
    %mul3A_81 = arith.mulf %sub3A_80, %tanh3A : vector<2048x128xf32>
    %mul3A_82 = arith.mulf %logistic3A_74, %get3A_5 : vector<2048x128xf32>
    %add3A_83 = arith.addf %mul3A_81, %mul3A_82 : vector<2048x128xf32>
    %iota3A = tpu.iota {dimensions = array<i32: 0>} : vector<2048x1xi32>
    %lt3A = vector.broadcast %get3A_0 : i32 to vector<2048x1xi32>
    %lt3A_84 = arith.cmpi slt, %iota3A, %lt3A : vector<2048x1xi32>
    %and3A = vector.broadcast %gt3A_17 : i1 to vector<2048x1xi1>
    %and3A_85 = arith.andi %lt3A_84, %and3A : vector<2048x1xi1>
    %broadcast_in_dim3A_86 = vector.shape_cast %and3A_85 : vector<2048x1xi1> to vector<2048x1xi1>
    %broadcast_in_dim3A_87 = vector.broadcast %broadcast_in_dim3A_86 : vector<2048x1xi1> to vector<2048x128xi1>
    %select_n3A = arith.select %broadcast_in_dim3A_87, %add3A_83, %get3A_5 : vector<2048x128xi1>, vector<2048x128xf32>
    %swap3A = arith.constant 0 : index
    %swap3A_88 = arith.constant 0 : index
    %swap3A_89 = arith.constant 0 : index
    %swap3A_90 = vector.load %arg12[%swap3A, %swap3A_88, %swap3A_89] : memref<1x2048x128xf32, #tpu.memory_space<vmem>>, vector<1x2048x128xf32>
    %swap3A_91 = vector.shape_cast %swap3A_90 : vector<1x2048x128xf32> to vector<2048x128xf32>
    %swap3A_92 = vector.shape_cast %select_n3A : vector<2048x128xf32> to vector<1x2048x128xf32>
    tpu.vector_store %arg12[%swap3A, %swap3A_88, %swap3A_89], %swap3A_92 {strides = array<i32>} : memref<1x2048x128xf32, #tpu.memory_space<vmem>>, vector<1x2048x128xf32>,
    %get3A_93 = arith.constant 0 : index
    %get3A_94 = arith.constant 0 : index
    %get3A_95 = vector.load %arg11[%get3A_93, %get3A_94] : memref<128x128xf32, #tpu.memory_space<vmem>>, vector<128x128xf32>
    %dot_general3A_96 = arith.constant dense<0.000000e+00> : vector<2048x128xf32>
    %dot_general3A_97 = tpu.matmul %select_n3A, %get3A_95, %dot_general3A_96 {dimension_numbers = #tpu.dot_dimension_numbers<[1], [1], [0], [0], [0, 0, 1, 0], [], []>, transpose_lhs_hint = false} : vector<2048x128xf32>, vector<128x128xf32>, vector<2048x128xf32> -> vector<2048x128xf32>
    %swap3A_98 = arith.constant 0 : index
    %swap3A_99 = arith.constant 0 : index
    %swap3A_100 = arith.constant 0 : index
    %swap3A_101 = vector.load %arg13[%swap3A_98, %swap3A_99, %swap3A_100] : memref<1x2048x128xf32, #tpu.memory_space<vmem>>, vector<1x2048x128xf32>
    %swap3A_102 = vector.shape_cast %swap3A_101 : vector<1x2048x128xf32> to vector<2048x128xf32>
    %swap3A_103 = vector.shape_cast %dot_general3A_97 : vector<2048x128xf32> to vector<1x2048x128xf32>
    tpu.vector_store %arg13[%swap3A_98, %swap3A_99, %swap3A_100], %swap3A_103 {strides = array<i32>} : memref<1x2048x128xf32, #tpu.memory_space<vmem>>, vector<1x2048x128xf32>,
    return
  }
  func.func @transform_0(%arg0: i32) -> i32 {
    %c0_i32 = arith.constant 0 : i32
    %c0_i32_0 = arith.constant 0 : i32
    return %c0_i32 : i32
  }
  func.func @transform_1(%arg0: i32) -> (i32, i32, i32) {
    %c0_i32 = arith.constant 0 : i32
    %c0_i32_0 = arith.constant 0 : i32
    %c0_i32_1 = arith.constant 0 : i32
    return %arg0, %c0_i32, %c0_i32_0 : i32, i32, i32
  }
  func.func @transform_2(%arg0: i32) -> (i32, i32, i32) {
    %c0_i32 = arith.constant 0 : i32
    %c0_i32_0 = arith.constant 0 : i32
    %c0_i32_1 = arith.constant 0 : i32
    return %arg0, %c0_i32, %c0_i32_0 : i32, i32, i32
  }
  func.func @transform_3(%arg0: i32) -> (i32, i32, i32) {
    %c0_i32 = arith.constant 0 : i32
    %c0_i32_0 = arith.constant 0 : i32
    %c0_i32_1 = arith.constant 0 : i32
    return %arg0, %c0_i32, %c0_i32_0 : i32, i32, i32
  }
  func.func @transform_4(%arg0: i32) -> (i32, i32) {
    %c0_i32 = arith.constant 0 : i32
    %c0_i32_0 = arith.constant 0 : i32
    %c0_i32_1 = arith.constant 0 : i32
    return %c0_i32, %c0_i32_0 : i32, i32
  }
  func.func @transform_5(%arg0: i32) -> (i32, i32) {
    %c0_i32 = arith.constant 0 : i32
    %c0_i32_0 = arith.constant 0 : i32
    %c0_i32_1 = arith.constant 0 : i32
    return %c0_i32, %c0_i32_0 : i32, i32
  }
  func.func @transform_6(%arg0: i32) -> (i32, i32) {
    %c0_i32 = arith.constant 0 : i32
    %c0_i32_0 = arith.constant 0 : i32
    %c0_i32_1 = arith.constant 0 : i32
    return %c0_i32, %c0_i32_0 : i32, i32
  }
  func.func @transform_7(%arg0: i32) -> (i32, i32) {
    %c0_i32 = arith.constant 0 : i32
    %c0_i32_0 = arith.constant 0 : i32
    %c0_i32_1 = arith.constant 0 : i32
    return %c0_i32, %c0_i32_0 : i32, i32
  }
  func.func @transform_8(%arg0: i32) -> (i32, i32) {
    %c0_i32 = arith.constant 0 : i32
    %c0_i32_0 = arith.constant 0 : i32
    %c0_i32_1 = arith.constant 0 : i32
    return %c0_i32, %c0_i32_0 : i32, i32
  }
  func.func @transform_9(%arg0: i32) -> (i32, i32) {
    %c0_i32 = arith.constant 0 : i32
    %c0_i32_0 = arith.constant 0 : i32
    %c0_i32_1 = arith.constant 0 : i32
    return %c0_i32, %c0_i32_0 : i32, i32
  }
  func.func @transform_10(%arg0: i32) -> (i32, i32) {
    %c0_i32 = arith.constant 0 : i32
    %c0_i32_0 = arith.constant 0 : i32
    %c0_i32_1 = arith.constant 0 : i32
    return %c0_i32, %c0_i32_0 : i32, i32
  }
  func.func @transform_11(%arg0: i32) -> (i32, i32, i32) {
    %c0_i32 = arith.constant 0 : i32
    %c0_i32_0 = arith.constant 0 : i32
    %c0_i32_1 = arith.constant 0 : i32
    return %arg0, %c0_i32, %c0_i32_0 : i32, i32, i32
  }
  func.func @transform_12(%arg0: i32) -> (i32, i32, i32) {
    %c0_i32 = arith.constant 0 : i32
    %c0_i32_0 = arith.constant 0 : i32
    %c0_i32_1 = arith.constant 0 : i32
    return %arg0, %c0_i32, %c0_i32_0 : i32, i32, i32
  }
}

module attributes {stable_mosaic.version = 14 : i64} {
  func.func @_d_body(%arg0: i32, %arg1: memref<8xi32, #tpu.memory_space<smem>>, %arg2: memref<1x2048x128xf32, #tpu.memory_space<vmem>>, %arg3: memref<1x2048x128xf32, #tpu.memory_space<vmem>>, %arg4: memref<1x2048x16xf32, #tpu.memory_space<vmem>>, %arg5: memref<16x128xf32, #tpu.memory_space<vmem>>, %arg6: memref<1x128xf32, #tpu.memory_space<vmem>>, %arg7: memref<384x128xf32, #tpu.memory_space<vmem>>, %arg8: memref<1x384xf32, #tpu.memory_space<vmem>>, %arg9: memref<384x128xf32, #tpu.memory_space<vmem>>, %arg10: memref<1x384xf32, #tpu.memory_space<vmem>>, %arg11: memref<128x128xf32, #tpu.memory_space<vmem>>, %arg12: memref<1x1x128xf32, #tpu.memory_space<vmem>>, %arg13: memref<1x1x128xf32, #tpu.memory_space<vmem>>) attributes {dimension_semantics = [#tpu.dimension_semantics<arbitrary>], iteration_bounds = array<i64: 8>, scalar_prefetch = 0 : i64, scratch_operands = 0 : i64, tpu.core_type = #tpu.core_type<tc>, window_params = [{transform_indices = @transform_0, window_bounds = array<i64: 8>}, {transform_indices = @transform_1, window_bounds = array<i64: 1, 2048, 128>}, {transform_indices = @transform_2, window_bounds = array<i64: 1, 2048, 128>}, {transform_indices = @transform_3, window_bounds = array<i64: 1, 2048, 16>}, {pipeline_mode = #tpu.pipeline_mode<synchronous>, transform_indices = @transform_4, window_bounds = array<i64: 16, 128>}, {pipeline_mode = #tpu.pipeline_mode<synchronous>, transform_indices = @transform_5, window_bounds = array<i64: 1, 128>}, {pipeline_mode = #tpu.pipeline_mode<synchronous>, transform_indices = @transform_6, window_bounds = array<i64: 384, 128>}, {pipeline_mode = #tpu.pipeline_mode<synchronous>, transform_indices = @transform_7, window_bounds = array<i64: 1, 384>}, {pipeline_mode = #tpu.pipeline_mode<synchronous>, transform_indices = @transform_8, window_bounds = array<i64: 384, 128>}, {pipeline_mode = #tpu.pipeline_mode<synchronous>, transform_indices = @transform_9, window_bounds = array<i64: 1, 384>}, {pipeline_mode = #tpu.pipeline_mode<synchronous>, transform_indices = @transform_10, window_bounds = array<i64: 128, 128>}, {transform_indices = @transform_11, window_bounds = array<i64: 1, 1, 128>}, {transform_indices = @transform_12, window_bounds = array<i64: 1, 1, 128>}]} {
    %get3A = arith.index_cast %arg0 : i32 to index
    %get3A_0 = memref.load %arg1[%get3A] : memref<8xi32, #tpu.memory_space<smem>>
    %get3A_1 = arith.constant 0 : index
    %get3A_2 = arith.constant 0 : index
    %get3A_3 = arith.constant 0 : index
    %get3A_4 = vector.load %arg2[%get3A_1, %get3A_2, %get3A_3] : memref<1x2048x128xf32, #tpu.memory_space<vmem>>, vector<1x2048x128xf32>
    %get3A_5 = vector.shape_cast %get3A_4 : vector<1x2048x128xf32> to vector<2048x128xf32>
    %get3A_6 = arith.constant 0 : index
    %get3A_7 = arith.constant 0 : index
    %get3A_8 = arith.constant 0 : index
    %get3A_9 = vector.load %arg4[%get3A_6, %get3A_7, %get3A_8] : memref<1x2048x16xf32, #tpu.memory_space<vmem>>, vector<1x2048x16xf32>
    %get3A_10 = vector.shape_cast %get3A_9 : vector<1x2048x16xf32> to vector<2048x16xf32>
    %reduce_sum3A = arith.constant dense<0.000000e+00> : vector<2048xf32>
    %reduce_sum3A_11 = vector.multi_reduction <add>, %get3A_10, %reduce_sum3A [1] : vector<2048x16xf32> to vector<2048xf32>
    %broadcast_in_dim3A = vector.shape_cast %reduce_sum3A_11 : vector<2048xf32> to vector<2048x1xf32>
    %reduce_sum3A_12 = vector.shape_cast %broadcast_in_dim3A : vector<2048x1xf32> to vector<1x2048x1xf32>
    %reduce_sum3A_13 = arith.constant dense<0.000000e+00> : vector<1xf32>
    %reduce_sum3A_14 = vector.multi_reduction <add>, %reduce_sum3A_12, %reduce_sum3A_13 [1, 2] : vector<1x2048x1xf32> to vector<1xf32>
    %reduce_sum3A_15 = vector.shape_cast %reduce_sum3A_14 : vector<1xf32> to vector<1x1x1xf32>
    %reduce_sum3A_16 = vector.extract %reduce_sum3A_15[0, 0, 0] : f32 from vector<1x1x1xf32>
    %gt3A = arith.constant 5.000000e-01 : f32
    %gt3A_17 = arith.cmpf ogt, %reduce_sum3A_16, %gt3A : f32
    %get3A_18 = arith.constant 0 : index
    %get3A_19 = arith.constant 0 : index
    %get3A_20 = arith.constant 0 : index
    %get3A_21 = vector.load %arg3[%get3A_18, %get3A_19, %get3A_20] : memref<1x2048x128xf32, #tpu.memory_space<vmem>>, vector<1x2048x128xf32>
    %get3A_22 = vector.shape_cast %get3A_21 : vector<1x2048x128xf32> to vector<2048x128xf32>
    %get3A_23 = arith.constant 0 : index
    %get3A_24 = arith.constant 0 : index
    %get3A_25 = vector.load %arg5[%get3A_23, %get3A_24] : memref<16x128xf32, #tpu.memory_space<vmem>>, vector<16x128xf32>
    %dot_general3A = arith.constant dense<0.000000e+00> : vector<2048x128xf32>
    %dot_general3A_26 = tpu.matmul %get3A_10, %get3A_25, %dot_general3A {dimension_numbers = #tpu.dot_dimension_numbers<[1], [0], [0], [1], [0, 0, 1, 1], [], []>, transpose_lhs_hint = false} : vector<2048x16xf32>, vector<16x128xf32>, vector<2048x128xf32> -> vector<2048x128xf32>
    %add3A = arith.addf %get3A_22, %dot_general3A_26 : vector<2048x128xf32>
    %get3A_27 = arith.constant 0 : index
    %get3A_28 = arith.constant 0 : index
    %get3A_29 = vector.load %arg6[%get3A_27, %get3A_28] : memref<1x128xf32, #tpu.memory_space<vmem>>, vector<1x128xf32>
    %get3A_30 = vector.shape_cast %get3A_29 : vector<1x128xf32> to vector<128xf32>
    %broadcast_in_dim3A_31 = vector.shape_cast %get3A_30 : vector<128xf32> to vector<1x128xf32>
    %mul3A = vector.broadcast %broadcast_in_dim3A : vector<2048x1xf32> to vector<2048x128xf32>
    %mul3A_32 = vector.broadcast %broadcast_in_dim3A_31 : vector<1x128xf32> to vector<2048x128xf32>
    %mul3A_33 = arith.mulf %mul3A, %mul3A_32 : vector<2048x128xf32>
    %add3A_34 = arith.addf %add3A, %mul3A_33 : vector<2048x128xf32>
    %get3A_35 = arith.constant 0 : index
    %get3A_36 = arith.constant 0 : index
    %get3A_37 = vector.load %arg7[%get3A_35, %get3A_36] : memref<384x128xf32, #tpu.memory_space<vmem>>, vector<384x128xf32>
    %dot_general3A_38 = arith.constant dense<0.000000e+00> : vector<2048x384xf32>
    %dot_general3A_39 = tpu.matmul %add3A_34, %get3A_37, %dot_general3A_38 {dimension_numbers = #tpu.dot_dimension_numbers<[1], [1], [0], [0], [0, 0, 1, 0], [], []>, transpose_lhs_hint = false} : vector<2048x128xf32>, vector<384x128xf32>, vector<2048x384xf32> -> vector<2048x384xf32>
    %get3A_40 = arith.constant 0 : index
    %get3A_41 = arith.constant 0 : index
    %get3A_42 = vector.load %arg8[%get3A_40, %get3A_41] : memref<1x384xf32, #tpu.memory_space<vmem>>, vector<1x384xf32>
    %get3A_43 = vector.shape_cast %get3A_42 : vector<1x384xf32> to vector<384xf32>
    %broadcast_in_dim3A_44 = vector.shape_cast %get3A_43 : vector<384xf32> to vector<1x384xf32>
    %add3A_45 = vector.broadcast %broadcast_in_dim3A_44 : vector<1x384xf32> to vector<2048x384xf32>
    %add3A_46 = arith.addf %dot_general3A_39, %add3A_45 : vector<2048x384xf32>
    %get3A_47 = arith.constant 0 : index
    %get3A_48 = arith.constant 0 : index
    %get3A_49 = vector.load %arg9[%get3A_47, %get3A_48] : memref<384x128xf32, #tpu.memory_space<vmem>>, vector<384x128xf32>
    %dot_general3A_50 = arith.constant dense<0.000000e+00> : vector<2048x384xf32>
    %dot_general3A_51 = tpu.matmul %get3A_5, %get3A_49, %dot_general3A_50 {dimension_numbers = #tpu.dot_dimension_numbers<[1], [1], [0], [0], [0, 0, 1, 0], [], []>, transpose_lhs_hint = false} : vector<2048x128xf32>, vector<384x128xf32>, vector<2048x384xf32> -> vector<2048x384xf32>
    %get3A_52 = arith.constant 0 : index
    %get3A_53 = arith.constant 0 : index
    %get3A_54 = vector.load %arg10[%get3A_52, %get3A_53] : memref<1x384xf32, #tpu.memory_space<vmem>>, vector<1x384xf32>
    %get3A_55 = vector.shape_cast %get3A_54 : vector<1x384xf32> to vector<384xf32>
    %broadcast_in_dim3A_56 = vector.shape_cast %get3A_55 : vector<384xf32> to vector<1x384xf32>
    %add3A_57 = vector.broadcast %broadcast_in_dim3A_56 : vector<1x384xf32> to vector<2048x384xf32>
    %add3A_58 = arith.addf %dot_general3A_51, %add3A_57 : vector<2048x384xf32>
    %slice3A = vector.extract_strided_slice %add3A_46 {offsets = [0, 0], sizes = [2048, 128], strides = [1, 1]} : vector<2048x384xf32> to vector<2048x128xf32>
    %slice3A_59 = vector.extract_strided_slice %add3A_58 {offsets = [0, 0], sizes = [2048, 128], strides = [1, 1]} : vector<2048x384xf32> to vector<2048x128xf32>
    %add3A_60 = arith.addf %slice3A, %slice3A_59 : vector<2048x128xf32>
    %logistic3A = arith.negf %add3A_60 : vector<2048x128xf32>
    %logistic3A_61 = math.exp %logistic3A : vector<2048x128xf32>
    %logistic3A_62 = arith.constant 1.000000e+00 : f32
    %logistic3A_63 = vector.broadcast %logistic3A_62 : f32 to vector<2048x128xf32>
    %logistic3A_64 = arith.addf %logistic3A_63, %logistic3A_61 : vector<2048x128xf32>
    %logistic3A_65 = arith.divf %logistic3A_63, %logistic3A_64 : vector<2048x128xf32>
    %slice3A_66 = vector.extract_strided_slice %add3A_46 {offsets = [0, 128], sizes = [2048, 128], strides = [1, 1]} : vector<2048x384xf32> to vector<2048x128xf32>
    %slice3A_67 = vector.extract_strided_slice %add3A_58 {offsets = [0, 128], sizes = [2048, 128], strides = [1, 1]} : vector<2048x384xf32> to vector<2048x128xf32>
    %add3A_68 = arith.addf %slice3A_66, %slice3A_67 : vector<2048x128xf32>
    %logistic3A_69 = arith.negf %add3A_68 : vector<2048x128xf32>
    %logistic3A_70 = math.exp %logistic3A_69 : vector<2048x128xf32>
    %logistic3A_71 = arith.constant 1.000000e+00 : f32
    %logistic3A_72 = vector.broadcast %logistic3A_71 : f32 to vector<2048x128xf32>
    %logistic3A_73 = arith.addf %logistic3A_72, %logistic3A_70 : vector<2048x128xf32>
    %logistic3A_74 = arith.divf %logistic3A_72, %logistic3A_73 : vector<2048x128xf32>
    %slice3A_75 = vector.extract_strided_slice %add3A_46 {offsets = [0, 256], sizes = [2048, 128], strides = [1, 1]} : vector<2048x384xf32> to vector<2048x128xf32>
    %slice3A_76 = vector.extract_strided_slice %add3A_58 {offsets = [0, 256], sizes = [2048, 128], strides = [1, 1]} : vector<2048x384xf32> to vector<2048x128xf32>
    %mul3A_77 = arith.mulf %logistic3A_65, %slice3A_76 : vector<2048x128xf32>
    %add3A_78 = arith.addf %slice3A_75, %mul3A_77 : vector<2048x128xf32>
    %tanh3A = math.tanh %add3A_78 : vector<2048x128xf32>
    %sub3A = arith.constant 1.000000e+00 : f32
    %sub3A_79 = vector.broadcast %sub3A : f32 to vector<2048x128xf32>
    %sub3A_80 = arith.subf %sub3A_79, %logistic3A_74 : vector<2048x128xf32>
    %mul3A_81 = arith.mulf %sub3A_80, %tanh3A : vector<2048x128xf32>
    %mul3A_82 = arith.mulf %logistic3A_74, %get3A_5 : vector<2048x128xf32>
    %add3A_83 = arith.addf %mul3A_81, %mul3A_82 : vector<2048x128xf32>
    %iota3A = tpu.iota {dimensions = array<i32: 0>} : vector<2048x1xi32>
    %lt3A = vector.broadcast %get3A_0 : i32 to vector<2048x1xi32>
    %lt3A_84 = arith.cmpi slt, %iota3A, %lt3A : vector<2048x1xi32>
    %and3A = vector.broadcast %gt3A_17 : i1 to vector<2048x1xi1>
    %and3A_85 = arith.andi %lt3A_84, %and3A : vector<2048x1xi1>
    %broadcast_in_dim3A_86 = vector.shape_cast %and3A_85 : vector<2048x1xi1> to vector<2048x1xi1>
    %broadcast_in_dim3A_87 = vector.broadcast %broadcast_in_dim3A_86 : vector<2048x1xi1> to vector<2048x128xi1>
    %select_n3A = arith.select %broadcast_in_dim3A_87, %add3A_83, %get3A_5 : vector<2048x128xi1>, vector<2048x128xf32>
    %jit3A = arith.constant 0.000000e+00 : f32
    %broadcast_in_dim3A_88 = vector.shape_cast %lt3A_84 : vector<2048x1xi1> to vector<2048x1xi1>
    %broadcast_in_dim3A_89 = vector.broadcast %broadcast_in_dim3A_88 : vector<2048x1xi1> to vector<2048x128xi1>
    %broadcast_in_dim3A_90 = vector.broadcast %jit3A : f32 to vector<2048x128xf32>
    %select_n3A_91 = arith.select %broadcast_in_dim3A_89, %select_n3A, %broadcast_in_dim3A_90 : vector<2048x128xi1>, vector<2048x128xf32>
    %reduce_sum3A_92 = arith.constant dense<0.000000e+00> : vector<128xf32>
    %reduce_sum3A_93 = vector.multi_reduction <add>, %select_n3A_91, %reduce_sum3A_92 [0] : vector<2048x128xf32> to vector<128xf32>
    %swap3A = arith.constant 0 : index
    %swap3A_94 = arith.constant 0 : index
    %swap3A_95 = arith.constant 0 : index
    %swap3A_96 = vector.load %arg12[%swap3A, %swap3A_94, %swap3A_95] : memref<1x1x128xf32, #tpu.memory_space<vmem>>, vector<1x1x128xf32>
    %swap3A_97 = vector.shape_cast %swap3A_96 : vector<1x1x128xf32> to vector<128xf32>
    %swap3A_98 = vector.shape_cast %reduce_sum3A_93 : vector<128xf32> to vector<1x1x128xf32>
    tpu.vector_store %arg12[%swap3A, %swap3A_94, %swap3A_95], %swap3A_98 {strides = array<i32>} : memref<1x1x128xf32, #tpu.memory_space<vmem>>, vector<1x1x128xf32>,
    return
  }
  func.func @transform_0(%arg0: i32) -> i32 {
    %c0_i32 = arith.constant 0 : i32
    %c0_i32_0 = arith.constant 0 : i32
    return %c0_i32 : i32
  }
  func.func @transform_1(%arg0: i32) -> (i32, i32, i32) {
    %c0_i32 = arith.constant 0 : i32
    %c0_i32_0 = arith.constant 0 : i32
    %c0_i32_1 = arith.constant 0 : i32
    return %arg0, %c0_i32, %c0_i32_0 : i32, i32, i32
  }
  func.func @transform_2(%arg0: i32) -> (i32, i32, i32) {
    %c0_i32 = arith.constant 0 : i32
    %c0_i32_0 = arith.constant 0 : i32
    %c0_i32_1 = arith.constant 0 : i32
    return %arg0, %c0_i32, %c0_i32_0 : i32, i32, i32
  }
  func.func @transform_3(%arg0: i32) -> (i32, i32, i32) {
    %c0_i32 = arith.constant 0 : i32
    %c0_i32_0 = arith.constant 0 : i32
    %c0_i32_1 = arith.constant 0 : i32
    return %arg0, %c0_i32, %c0_i32_0 : i32, i32, i32
  }
  func.func @transform_4(%arg0: i32) -> (i32, i32) {
    %c0_i32 = arith.constant 0 : i32
    %c0_i32_0 = arith.constant 0 : i32
    %c0_i32_1 = arith.constant 0 : i32
    return %c0_i32, %c0_i32_0 : i32, i32
  }
  func.func @transform_5(%arg0: i32) -> (i32, i32) {
    %c0_i32 = arith.constant 0 : i32
    %c0_i32_0 = arith.constant 0 : i32
    %c0_i32_1 = arith.constant 0 : i32
    return %c0_i32, %c0_i32_0 : i32, i32
  }
  func.func @transform_6(%arg0: i32) -> (i32, i32) {
    %c0_i32 = arith.constant 0 : i32
    %c0_i32_0 = arith.constant 0 : i32
    %c0_i32_1 = arith.constant 0 : i32
    return %c0_i32, %c0_i32_0 : i32, i32
  }
  func.func @transform_7(%arg0: i32) -> (i32, i32) {
    %c0_i32 = arith.constant 0 : i32
    %c0_i32_0 = arith.constant 0 : i32
    %c0_i32_1 = arith.constant 0 : i32
    return %c0_i32, %c0_i32_0 : i32, i32
  }
  func.func @transform_8(%arg0: i32) -> (i32, i32) {
    %c0_i32 = arith.constant 0 : i32
    %c0_i32_0 = arith.constant 0 : i32
    %c0_i32_1 = arith.constant 0 : i32
    return %c0_i32, %c0_i32_0 : i32, i32
  }
  func.func @transform_9(%arg0: i32) -> (i32, i32) {
    %c0_i32 = arith.constant 0 : i32
    %c0_i32_0 = arith.constant 0 : i32
    %c0_i32_1 = arith.constant 0 : i32
    return %c0_i32, %c0_i32_0 : i32, i32
  }
  func.func @transform_10(%arg0: i32) -> (i32, i32) {
    %c0_i32 = arith.constant 0 : i32
    %c0_i32_0 = arith.constant 0 : i32
    %c0_i32_1 = arith.constant 0 : i32
    return %c0_i32, %c0_i32_0 : i32, i32
  }
  func.func @transform_11(%arg0: i32) -> (i32, i32, i32) {
    %c0_i32 = arith.constant 0 : i32
    %c0_i32_0 = arith.constant 0 : i32
    %c0_i32_1 = arith.constant 0 : i32
    return %arg0, %c0_i32, %c0_i32_0 : i32, i32, i32
  }
  func.func @transform_12(%arg0: i32) -> (i32, i32, i32) {
    %c0_i32 = arith.constant 0 : i32
    %c0_i32_0 = arith.constant 0 : i32
    %c0_i32_1 = arith.constant 0 : i32
    return %arg0, %c0_i32, %c0_i32_0 : i32, i32, i32
  }
}

</mosaic_0001>

<sc_bundles>
// kernel: kernel.12.cloned.1.call-start
scs
__scs_entry_jumppad:
0x0: {  	(pc) =	sbr.rel $0x88, $3  }
0x1: {  	(tag) =	ssettag $0x0;
	lr =	simm.s32 $0x1  }
0x2: {  	[smem:$0x3F94] =	sst lr;
	_ =	strace $0xD0000000  }
0x3: {  	_ = 	snop  }
0x4: {  	_ = 	snop  }
0x5: {  	_ = 	snop  }
0x6: {  	_ = 	snop  }
0x7: {  	_ = 	snop  }
__scs_overlays_trampoline_lowered:
0x8: {  	[smem:$0x3FA3] =	sst s0  }
0x9: {  	[smem:$0x3FA4] =	sst s1  }
0xa: {  	[smem:$0x3FA5] =	sst s2  }
0xb: {  	[smem:$0x3FA6] =	sst s3  }
0xc: {  	[smem:$0x3FA7] =	sst s4  }
0xd: {  	[smem:$0x3FA8] =	sst s5  }
0xe: {  	[smem:$0x3FA9] =	sst s6  }
0xf: {  	[smem:$0x3FAA] =	sst s7  }
0x10: {  	[smem:$0x3FAB] =	sst s8  }
0x11: {  	[smem:$0x3FAC] =	sst s9;
	s0 =	simm.s32 @!p0 $0x0  }
0x12: {  	s1 =	sld [smem:$0x3F92];
	s0 =	simm.s32 @p0 $0x1  }
0x13: {  	[smem:$0x3FAD] =	sst s0;
	s0 =	simm.s32 @!p1 $0x0  }
0x14: {  	s2 =	sld [smem:$0x3F91];
	s0 =	simm.s32 @p1 $0x1  }
0x15: {  	[smem:$0x3FAE] =	sst s0;
	s0 =	simm.s32 @!p2 $0x0  }
0x16: {  	s3 =	sld [smem:$0x3FDB];
	s0 =	simm.s32 @p2 $0x1  }
0x17: {  	s4 =	simm.s32 $0x1BF5;
	[smem:$0x3FB0] =	sst s0  }
0x18: {  	s0 =	sld [smem:$0x3F93];
	_ =	swait.ge [sflag:s4], $0x0  }
0x19: {  	s7 =	sld [smem:$0x3F94]  }
0x1a: {  	s8 =	sadd.s32 $0xFFFFE003, lr  }
0x1b: {  	s9 =	sadd.s32 $0xFFFFFEF7, lr;
	s5 =	simm.s32 $0xFFFFFFFF;
	p2 =	slt.u32 s8, $0xFFFFF086  }
0x1c: {  	p1 =	slt.u32 s9, $0xF7A;
	s5 =	simm.s32 @!p2 $0x0  }
0x1d: {  	s5 =	simm.s32 @p1 $0x1;
	p0 =	seq.s32 s7, s2  }
0x1e: {  	s7 =	smul.u32 @!p0 $0xF7A, s2;
	p2 =	seq.s32 @!p0 s5, $0x0  }
0x1f: {  	s9 =	smul.u32 $0xF7A, s1;
	s8 =	simm.s32 @!p0 $0x1BF5;
	p2 =	por !p2, p0  }
0x20: {  	[sflag:s8] =	ssyncset.s32 @!p0 $0xFFFFF086;
	s6 =	sadd.s32 @!p0 s3, s7;
	s7 =	simm.s32 @!p0 $0x108  }
0x21: {  	s3 =	sadd.s32 s3, s9;
	s6 =	sadd.s32 @!p0 $0x88, s6;
	s7 =	simm.s32 @p2 $0x1082  }
0x22: {  	[simem:s7], [sflag:s8] =	dma.local @!p0 [hbm:s6], $0xF7A  }
0x23: {  	s9 =	sor.u32 $0xD0000000, s2;
	s6 =	simm.s32 $0x108;
	_ =	swait.ge @!p0 [sflag:s8], $0x0  }
0x24: {  	s3 =	sadd.s32 $0x88, s3;
	s6 =	simm.s32 @!p1 $0x1082;
	[sflag:s4] =	ssyncset.s32 $0xFFFFF086  }
0x25: {  	[simem:s6], [sflag:s4] =	dma.local [hbm:s3], $0xF7A  }
0x26: {  	[smem:$0x3F94] =	sst s1;
	(tag) =	ssettag s2;
	_ =	strace s9  }
0x27: {  	s1 =	sld [smem:$0x3FA4]  }
0x28: {  	s2 =	sld [smem:$0x3FA5]  }
0x29: {  	s4 =	sld [smem:$0x3FA7]  }
0x2a: {  	p0 =	seq.s32 s5, $0x0;
	s5 =	sld [smem:$0x3FA8]  }
0x2b: {  	s6 =	sld [smem:$0x3FA9]  }
0x2c: {  	s7 =	sld [smem:$0x3FAA]  }
0x2d: {  	s3 =	simm.s32 $0x108;
	s8 =	sld [smem:$0x3FAB]  }
0x2e: {  	s3 =	simm.s32 @!p0 $0x1082;
	s9 =	sld [smem:$0x3FAC]  }
0x2f: {  	lr =	sadd.s32 s0, s3;
	s0 =	sld [smem:$0x3FA3]  }
0x30: {  	s3 =	sld [smem:$0x3FA6]  }
0x31: {  	[smem:$0x3FAF] =	sst s10  }
0x32: {  	s10 =	sld [smem:$0x3FAD];
	_ =	sdelay $0x3  }
0x33: {  	p0 =	seq.s32 s10, $0x1;
	s10 =	sld [smem:$0x3FAF];
	_ =	sdelay $0x3  }
0x34: {  	[smem:$0x3FAF] =	sst s10  }
0x35: {  	s10 =	sld [smem:$0x3FAE];
	_ =	sdelay $0x3  }
0x36: {  	p1 =	seq.s32 s10, $0x1;
	s10 =	sld [smem:$0x3FAF];
	_ =	sdelay $0x3  }
0x37: {  	[smem:$0x3FAF] =	sst s10  }
0x38: {  	s10 =	sld [smem:$0x3FB0]  }
0x39: {  	_ = 	snop;
	(pc) =	sbr.ind lr, $3  }
0x3a: {  	_ = 	snop  }
0x3b: {  	_ = 	snop  }
0x3c: {  	p2 =	seq.s32 s10, $0x1;
	s10 =	sld [smem:$0x3FAF]  }
0x3d: {  	_ =	shalt  }
0x3e: {  	_ =	shalt  }
0x3f: {  	_ =	shalt  }
0x40: {  	_ =	shalt  }
0x41: {  	_ =	shalt  }
0x42: {  	_ =	shalt  }
0x43: {  	_ =	shalt  }
0x44: {  	_ =	shalt  }
0x45: {  	_ =	shalt  }
0x46: {  	_ =	shalt  }
0x47: {  	_ =	shalt  }
0x48: {  	_ =	shalt  }
0x49: {  	_ =	shalt  }
0x4a: {  	_ =	shalt  }
0x4b: {  	_ =	shalt  }
0x4c: {  	_ =	shalt  }
0x4d: {  	_ =	shalt  }
0x4e: {  	_ =	shalt  }
0x4f: {  	_ =	shalt  }
0x50: {  	_ =	shalt  }
0x51: {  	_ =	shalt  }
0x52: {  	_ =	shalt  }
0x53: {  	_ =	shalt  }
0x54: {  	_ =	shalt  }
0x55: {  	_ =	shalt  }
0x56: {  	_ =	shalt  }
0x57: {  	_ =	shalt  }
0x58: {  	_ =	shalt  }
0x59: {  	_ =	shalt  }
0x5a: {  	_ =	shalt  }
0x5b: {  	_ =	shalt  }
0x5c: {  	_ =	shalt  }
0x5d: {  	_ =	shalt  }
0x5e: {  	_ =	shalt  }
0x5f: {  	_ =	shalt  }
0x60: {  	_ =	shalt  }
0x61: {  	_ =	shalt  }
0x62: {  	_ =	shalt  }
0x63: {  	_ =	shalt  }
0x64: {  	_ =	shalt  }
0x65: {  	_ =	shalt  }
0x66: {  	_ =	shalt  }
0x67: {  	_ =	shalt  }
0x68: {  	_ =	shalt  }
0x69: {  	_ =	shalt  }
0x6a: {  	_ =	shalt  }
0x6b: {  	_ =	shalt  }
0x6c: {  	_ =	shalt  }
0x6d: {  	_ =	shalt  }
0x6e: {  	_ =	shalt  }
0x6f: {  	_ =	shalt  }
0x70: {  	_ =	shalt  }
0x71: {  	_ =	shalt  }
0x72: {  	_ =	shalt  }
0x73: {  	_ =	shalt  }
0x74: {  	_ =	shalt  }
0x75: {  	_ =	shalt  }
0x76: {  	_ =	shalt  }
0x77: {  	_ =	shalt  }
0x78: {  	_ =	shalt  }
0x79: {  	_ =	shalt  }
0x7a: {  	_ =	shalt  }
0x7b: {  	_ =	shalt  }
0x7c: {  	_ =	shalt  }
0x7d: {  	_ =	shalt  }
0x7e: {  	_ =	shalt  }
0x7f: {  	_ =	shalt  }
0x80: {  	_ =	shalt  }
0x81: {  	_ =	shalt  }
0x82: {  	_ =	shalt  }
0x83: {  	_ =	shalt  }
0x84: {  	_ =	shalt  }
0x85: {  	_ =	shalt  }
0x86: {  	_ =	shalt  }
0x87: {  	_ =	shalt  }
.Lfunc_end0:
.L_simem_size_0:
called_computation.1_lowered:
.L_overlay_start_0:
0x88: {  	s2 =	sld [smem:$0x3FD9]  }
0x89: {  	s3 =	sld [smem:$0x3FFE];
	_ =	sdelay $0x1  }
0x8a: {  	s1 =	srdreg.scid  }
0x8b: {  	s0 =	sand.u32 $0x1, s1  }
0x8c: {  	s16 =	sshll.u32 s0, $0xA;
	s2 =	sadd.s32 s3, s2  }
0x8d: {  	s2 =	sadd.s32 s2, s16  }
0x8e: {  	[smem:$0x3FBB] =	sst s2  }
0x8f: {  	_ = 	snop  }
0x90: {  	(tm) =	ssettm $0x1  }
0x91: {  	s17 =	sld [smem:$0x3FFB];
	_ =	sdelay $0x3  }
0x92: {  	_ =	strace s17  }
0x93: {  	s2 =	sld [smem:$0x3FFC];
	_ =	sdelay $0x3  }
0x94: {  	_ =	strace s2  }
0x95: {  	s2 =	sld [smem:$0x3FFD];
	_ =	sdelay $0x3  }
0x96: {  	_ =	strace s2  }
0x97: {  	_ =	strace $0x8FFFFFFF  }
0x98: {  	s18 =	sld [smem:$0x3FDB];
	_ =	sdelay $0x1  }
0x99: {  	s19 =	simm.s32 $_scs_section_size  }
0x9a: {  	s4 =	simm.s32 $_size__tile_overlayer_lowered;
	s5 =	simm.s32 $_tile_overlayer_lowered  }
0x9b: {  	s22 =	simm.s32 $0x1BFF;
	s21 =	sshll.u32 s5, $0x1;
	s2 =	sadd.s32 s19, s18  }
0x9c: {  	s6 =	simm.s32 $0x0;
	s20 =	sshll.u32 s4, $0x1;
	s4 =	sadd.s32 s21, s2  }
0x9d: {  	[timem:s6], [sflag:s22] =	dma.local [hbm:s4], s20  }
0x9e: {  	_ =	swait.ge [sflag:s22], s20  }
0x9f: {  	s3 =	ssub.s32 $0x0, s20;
	[sflag:s22] =	ssyncset.done $0x0  }
0xa0: {  	[sflag:s22] =	ssyncadd.s32 s3;
	_ =	sdelay $0x1  }
0xa1: {  	s23 =	simm.s32 $0x1B8B  }
0xa2: {  	_ =	swait.ge [sflag:s23], $0x1  }
0xa3: {  	[sflag:s23] =	ssyncset.done $0x0  }
0xa4: {  	s25 =	simm.s32 $0x1B8E;
	s24 =	sld [smem:$0x3FFE];
	[sflag:s23] =	ssyncadd.s32 $0xFFFFFFFF  }
0xa5: {  	s26 =	simm.s32 $execute0_lowered;
	[smem:$0x3FD2] =	sst s25  }
0xa6: {  	s4 =	sshll.u32 s26, $0x1;
	_ =	strace $0x80000049;
	[dreg:$0x1] =	wrdreg $0xFFFFFFFF  }
0xa7: {  	s28 =	simm.s32 $_size_execute0_lowered;
	s2 =	sadd.s32 s2, s4;
	[dreg:$0x0] =	wrdreg $0x0  }
0xa8: {  	s4 =	sshll.u32 s28, $0x1;
	[dreg:$0x2] =	wrdreg s2  }
0xa9: {  	[dreg:$0x3] =	wrdreg s4  }
0xaa: {  	[dreg:$0x4] =	wrdreg $0xC0  }
0xab: {  	_ =	task [dreg:s6], $0x5FFFF  }
0xac: {  	[dreg:$0x1] =	wrdreg $0xFFFFFFFF  }
0xad: {  	[dreg:$0x0] =	wrdreg $0x60  }
0xae: {  	[dreg:$0x2] =	wrdreg s24  }
0xaf: {  	[dreg:$0x3] =	wrdreg $0xC0000  }
0xb0: {  	[dreg:$0x4] =	wrdreg $0x9  }
0xb1: {  	_ =	task.clear_ibuf [dreg:s6], $0x5FFFF;
	_ =	strace $0x90000049  }
0xb2: {  	s29 =	simm.s32 $0x9;
	_ =	strace $0x8000004B  }
0xb3: {  	_ =	swait.ge [sflag:s29], $0x1  }
0xb4: {  	[sflag:s29] =	ssyncadd.s32 $0xFFFFFFFF  }
0xb5: {  	_ =	strace $0x9000004B  }
0xb6: {  	_ =	sfence  }
0xb7: {  	s30 =	sld [smem:$0x0];
	_ =	sdelay $0x2  }
0xb8: {  	s31 =	sshll.u32 s1, $0xD;
	s1 =	sshrl.u32 s1, $0x2  }
0xb9: {  	s3 =	sand.u32 $0x4000, s31;
	s1 =	sadd.s32 s1, s30  }
0xba: {  	s0 =	sor.u32 s3, s0;
	s1 =	sshll.u32 s1, $0x11  }
0xbb: {  	s0 =	sor.u32 s1, s0  }
0xbc: {  	s0 =	sadd.s32 $0x8F2B, s0  }
0xbd: {  	[sflag:s0] =	ssyncadd.remote.s32 $0x1  }
0xbe: {  	_ =	sfence.sel $0xFFFF  }
0xbf: {  	[dreg:$0x0] =	wrdreg $0xFFFFFFFF;
	(pc) =	sbr.abs _section_cstart, $3  }
0xc0: {  	[dreg:$0x1] =	wrdreg $0xFFFFFFFF  }
0xc1: {  	_ =	task.clear_ibuf [dreg:s6], $0x2FFFF;
	_ =	strace $0x9FFFFFFF  }
0xc2: {  	(tm) =	ssettm $0x7FFFFFFF  }
0xc3: {  	_ =	shalt  }
tec
execute0_lowered:
.L_overlay_start_1:
0x0: {  	(tag) =	ssettag $0x1  }
0x1: {  	s6 =	rddreg [dreg:$0x0]  }
0x2: {  	s2 =	rddreg [dreg:$0x1]  }
0x3: {  	s4 =	srdreg.scid;
	s3 =	simm.s32 $0x0;
	s0 =	stileid.u32  }
0x4: {  	s12 =	simm.s32 $0xA000;
	s19 =	simm.s32 $0x80;
	s20 =	simm.s32 $0x4000  }
0x5: {  	s21 =	simm.s32 $0x1;
	s22 =	simm.s32 $0x2;
	s23 =	simm.s32 $0x9F80  }
0x6: {  	s24 =	simm.s32 $0xBF00;
	s26 =	simm.s32 $0xBF80;
	s28 =	simm.s32 $0x0  }
0x7: {  	s8 =	sand.u32 $0x1, s4;
	[smem:$0x7FF] =	sst s3;
	s5 =	sshll.u32 s0, $0xA  }
0x8: {  	s9 =	smul.u32 $0x50000, s0;
	s10 =	sshll.u32 s0, $0xD;
	s31 =	sshll.u32 s0, $0x10  }
0x9: {  	s13 =	sshll.u32 s0, $0x6;
	s4 =	sshll.u32 s8, $0xE;
	_ =	strace $0x8000004A  }
0xa: {  	s11 =	ssub.s32 $0x2, s8;
	s10 =	sadd.s32 s10, s6;
	s8 =	sshll.u32 s8, $0x11  }
0xb: {  	s25 =	sadd.s32 s31, s2;
	s13 =	sor.u32 $0x1C03, s13;
	s5 =	sor.u32 s5, s4  }
0xc: {  	s4 =	sadd.s32 $0x53C00, s6;
	s30 =	sshrl.u32 s11, $0x1;
	s9 =	sshrl.u32 s9, $0x2  }
0xd: {  	s8 =	sadd.s32 s8, s10;
	s10 =	simm.s32 $0x8000;
	s25 =	sshrl.u32 s25, $0x3  }
0xe: {  	s7 =	sadd.s32 s5, s6;
	s5 =	sadd.s32 $0xD3C00, s6;
	s11 =	ssub.s32 s11, s30  }
0xf: {  	s14 =	sadd.s32 s9, s2;
	s8 =	sadd.s32 $0xD4400, s8;
	s6 =	sadd.s32 $0x43C00, s7  }
0x10: {  	s7 =	sadd.s32 $0x4BC00, s7;
	s15 =	sadd.s32 $0x4000, s14;
	s16 =	sadd.s32 $0x8000, s14  }
0x11: {  	s17 =	sadd.s32 $0xC000, s14;
	s18 =	sadd.s32 $0x10000, s14;
	s9 =	smax.u32 s11, $0x1  }
0x12: {  	s11 =	simm.s32 $0x3;
	s14 =	sshrl.u32 s14, $0x3;
	s15 =	sshrl.u32 s15, $0x3  }
0x13: {  	s16 =	sshrl.u32 s16, $0x3;
	s17 =	sshrl.u32 s17, $0x3;
	s18 =	sshrl.u32 s18, $0x3  }
.LBB2_1:
0x14: {  	[tilespmem:s10], [sflag:$0x3] =	stream.linear.gather [hbm4b:s6+s3], $0x2000, $0x38;
	v63 =	vld [tilespmem:$0x0]  }
0x15: {  	_ =	swait.ge [sflag:s11], $0x2000  }
0x16: {  	[sflag:s11] =	ssyncset.done $0x0  }
0x17: {  	[sflag:s11] =	ssyncadd.s32 $0xFFFFE000  }
0x18: {  	[tilespmem:s12], [sflag:$0x3] =	stream.linear.gather [hbm4b:s7+s3], $0x2000, $0x38;
	v63 =	vld [tilespmem:$0x0]  }
0x19: {  	_ =	swait.ge [sflag:s11], $0x2000  }
0x1a: {  	[sflag:s11] =	ssyncset.done $0x0  }
0x1b: {  	[sflag:s11] =	ssyncadd.s32 $0xFFFFE000  }
0x1c: {  	[spmem:s14], [sflag:s13] =	dma.local [hbm:s5], $0x800  }
0x1d: {  	_ =	swait.ge [sflag:s11], $0x800  }
0x1e: {  	[sflag:s11] =	ssyncset.done $0x0  }
0x1f: {  	[sflag:s11] =	ssyncadd.s32 $0xFFFFF800  }
0x20: {  	[spmem:s15], [sflag:s13] =	dma.local [hbm:s5], $0x800  }
0x21: {  	_ =	swait.ge [sflag:s11], $0x800  }
0x22: {  	[sflag:s11] =	ssyncset.done $0x0  }
0x23: {  	[sflag:s11] =	ssyncadd.s32 $0xFFFFF800  }
0x24: {  	[spmem:s16], [sflag:s13] =	dma.local [hbm:s5], $0x800  }
0x25: {  	_ =	swait.ge [sflag:s11], $0x800  }
0x26: {  	[sflag:s11] =	ssyncset.done $0x0  }
0x27: {  	[sflag:s11] =	ssyncadd.s32 $0xFFFFF800  }
0x28: {  	[spmem:s17], [sflag:s13] =	dma.local [hbm:s5], $0x800  }
0x29: {  	_ =	swait.ge [sflag:s11], $0x800  }
0x2a: {  	[sflag:s11] =	ssyncset.done $0x0  }
0x2b: {  	[sflag:s11] =	ssyncadd.s32 $0xFFFFF800  }
0x2c: {  	[spmem:s18], [sflag:s13] =	dma.local [hbm:s5], $0x800  }
0x2d: {  	_ =	swait.ge [sflag:s11], $0x800  }
0x2e: {  	[sflag:s11] =	ssyncset.done $0x0  }
0x2f: {  	[sflag:s11] =	ssyncadd.s32 $0xFFFFF800  }
0x30: {  	[bflag:$0x0] =	sbarrier.arrive $0xFFFF  }
0x31: {  	[tilespmem:s3], [sflag:$0x1] =	stream.indirect.gather [hbm4b:s4+s19], $0x80, s10, s19, $0xb8;
	v63 =	vld [tilespmem:$0x0]  }
0x32: {  	s29 =	simm.s32 $0x8080  }
0x33: {  	[tilespmem:s20], [sflag:$0x2] =	stream.indirect.gather [hbm4b:s4+s19], $0x80, s29, s19, $0xb8;
	v63 =	vld [tilespmem:$0x0]  }
0x34: {  	_ =	swait.ge [sflag:s21], $0x4000  }
0x35: {  	[sflag:s21] =	ssyncset.done $0x0  }
0x36: {  	s29 =	simm.s32 $0xA000;
	[sflag:s21] =	ssyncadd.s32 $0xFFFFC000  }
0x37: {  	[spmem:s2] =	stream.indirect.scatter.add.f32 [tilespmem:s3], [sflag:$0x3], $0x80, s29, s19, $0xb8;
	v63 =	vld [tilespmem:$0x0]  }
0x38: {  	_ =	swait.ge [sflag:s11], $0x4000  }
0x39: {  	[sflag:s11] =	ssyncset.done $0x0  }
0x3a: {  	s29 =	simm.s32 $0x8100;
	[sflag:s11] =	ssyncadd.s32 $0xFFFFC000  }
0x3b: {  	[tilespmem:s3], [sflag:$0x1] =	stream.indirect.gather [hbm4b:s4+s19], $0x80, s29, s19, $0xb8;
	v63 =	vld [tilespmem:$0x0]  }
0x3c: {  	_ =	swait.ge [sflag:s22], $0x4000  }
0x3d: {  	[sflag:s22] =	ssyncset.done $0x0  }
0x3e: {  	s29 =	simm.s32 $0xA080;
	[sflag:s22] =	ssyncadd.s32 $0xFFFFC000  }
0x3f: {  	[spmem:s2] =	stream.indirect.scatter.add.f32 [tilespmem:s20], [sflag:$0x3], $0x80, s29, s19, $0xb8;
	v63 =	vld [tilespmem:$0x0]  }
0x40: {  	_ =	swait.ge [sflag:s11], $0x4000  }
0x41: {  	s30 =	simm.s32 $0x800;
	s29 =	simm.s32 $0x100;
	[sflag:s11] =	ssyncset.done $0x0  }
.LBB2_2:
0x42: {  	s31 =	sadd.s32 $0x8080, s29  }
0x43: {  	[sflag:s11] =	ssyncadd.s32 $0xFFFFC000;
	s0 =	smov.u32 s30;
	s1 =	sadd.s32 $0x400, s30  }
0x44: {  	[tilespmem:s20], [sflag:$0x2] =	stream.indirect.gather [hbm4b:s4+s19], $0x80, s31, s19, $0xb8;
	v63 =	vld [tilespmem:$0x0]  }
0x45: {  	p0 =	sne.s32 s30, $0x7800;
	_ =	swait.ge [sflag:s21], $0x4000  }
0x46: {  	[sflag:s21] =	ssyncset.done $0x0  }
0x47: {  	s30 =	sadd.s32 $0xA000, s29;
	[sflag:s21] =	ssyncadd.s32 $0xFFFFC000  }
0x48: {  	[spmem:s2] =	stream.indirect.scatter.add.f32 [tilespmem:s3], [sflag:$0x3], $0x80, s30, s19, $0xb8;
	v63 =	vld [tilespmem:$0x0]  }
0x49: {  	_ =	swait.ge [sflag:s11], $0x4000  }
0x4a: {  	[sflag:s11] =	ssyncset.done $0x0  }
0x4b: {  	s30 =	sadd.s32 $0x8100, s29;
	[sflag:s11] =	ssyncadd.s32 $0xFFFFC000  }
0x4c: {  	[tilespmem:s3], [sflag:$0x1] =	stream.indirect.gather [hbm4b:s4+s19], $0x80, s30, s19, $0xb8;
	v63 =	vld [tilespmem:$0x0]  }
0x4d: {  	_ =	swait.ge [sflag:s22], $0x4000  }
.Ltmp0:
0x4e: {  	[sflag:s22] =	ssyncset.done $0x0;
	(pc) =	sbr.rel @p0 .LBB2_2-.Ltmp0, $4  }
0x4f: {  	s29 =	sadd.s32 $0xA080, s29;
	[sflag:s22] =	ssyncadd.s32 $0xFFFFC000  }
0x50: {  	[spmem:s2] =	stream.indirect.scatter.add.f32 [tilespmem:s20], [sflag:$0x3], $0x80, s29, s19, $0xb8;
	v63 =	vld [tilespmem:$0x0]  }
0x51: {  	_ =	swait.ge [sflag:s11], $0x4000  }
0x52: {  	s30 =	smov.u32 s1;
	s29 =	sshra.s32 s0, $0x2;
	[sflag:s11] =	ssyncset.done $0x0  }
0x53: {  	s0 =	sadd.s32 $0x8080, s29;
	[sflag:s11] =	ssyncadd.s32 $0xFFFFC000  }
0x54: {  	[tilespmem:s20], [sflag:$0x2] =	stream.indirect.gather [hbm4b:s4+s19], $0x80, s0, s19, $0xb8;
	v63 =	vld [tilespmem:$0x0]  }
0x55: {  	_ =	swait.ge [sflag:s21], $0x4000  }
0x56: {  	[sflag:s21] =	ssyncset.done $0x0  }
0x57: {  	s1 =	sadd.s32 $0xA000, s29;
	[sflag:s21] =	ssyncadd.s32 $0xFFFFC000  }
0x58: {  	[spmem:s2] =	stream.indirect.scatter.add.f32 [tilespmem:s3], [sflag:$0x3], $0x80, s1, s19, $0xb8;
	v63 =	vld [tilespmem:$0x0]  }
0x59: {  	_ =	swait.ge [sflag:s11], $0x4000  }
0x5a: {  	[sflag:s11] =	ssyncset.done $0x0  }
0x5b: {  	s30 =	sadd.s32 $0x8100, s29;
	[sflag:s11] =	ssyncadd.s32 $0xFFFFC000  }
0x5c: {  	[tilespmem:s3], [sflag:$0x1] =	stream.indirect.gather [hbm4b:s4+s19], $0x80, s30, s19, $0xb8;
	v63 =	vld [tilespmem:$0x0]  }
0x5d: {  	_ =	swait.ge [sflag:s22], $0x4000  }
0x5e: {  	[sflag:s22] =	ssyncset.done $0x0  }
0x5f: {  	s31 =	sadd.s32 $0xA080, s29;
	[sflag:s22] =	ssyncadd.s32 $0xFFFFC000  }
0x60: {  	[spmem:s2] =	stream.indirect.scatter.add.f32 [tilespmem:s20], [sflag:$0x3], $0x80, s31, s19, $0xb8;
	v63 =	vld [tilespmem:$0x0]  }
0x61: {  	_ =	swait.ge [sflag:s11], $0x4000  }
0x62: {  	[sflag:s11] =	ssyncset.done $0x0  }
0x63: {  	[sflag:s11] =	ssyncadd.s32 $0xFFFFC000  }
0x64: {  	[tilespmem:s20], [sflag:$0x2] =	stream.indirect.gather [hbm4b:s4+s19], $0x80, s23, s19, $0xb8;
	v63 =	vld [tilespmem:$0x0]  }
0x65: {  	_ =	swait.ge [sflag:s21], $0x4000  }
0x66: {  	[sflag:s21] =	ssyncset.done $0x0  }
0x67: {  	[sflag:s21] =	ssyncadd.s32 $0xFFFFC000  }
0x68: {  	[spmem:s2] =	stream.indirect.scatter.add.f32 [tilespmem:s3], [sflag:$0x3], $0x80, s24, s19, $0xb8;
	v63 =	vld [tilespmem:$0x0]  }
0x69: {  	_ =	swait.ge [sflag:s11], $0x4000  }
0x6a: {  	[sflag:s11] =	ssyncset.done $0x0  }
0x6b: {  	[sflag:s11] =	ssyncadd.s32 $0xFFFFC000  }
0x6c: {  	_ =	swait.ge [sflag:s22], $0x4000  }
0x6d: {  	[sflag:s22] =	ssyncset.done $0x0  }
0x6e: {  	[sflag:s22] =	ssyncadd.s32 $0xFFFFC000  }
0x6f: {  	[spmem:s2] =	stream.indirect.scatter.add.f32 [tilespmem:s20], [sflag:$0x3], $0x80, s26, s19, $0xb8;
	v63 =	vld [tilespmem:$0x0]  }
0x70: {  	_ =	swait.ge [sflag:s11], $0x4000  }
0x71: {  	s28 =	sadd.s32 $0x1, s28;
	[sflag:s11] =	ssyncset.done $0x0  }
0x72: {  	p0 =	sne.s32 s28, s9;
	[sflag:s11] =	ssyncadd.s32 $0xFFFFC000  }
.Ltmp1:
0x73: {  	[bflag:$0x0] =	sbarrier.arrive $0xFFFF;
	(pc) =	sbr.rel @p0 .LBB2_1-.Ltmp1, $4  }
0x74: {  	[hbm:s8], [sflag:s13] =	dma.local [spmem:s25], $0x2000  }
0x75: {  	_ =	swait.ge [sflag:s11], $0x2000  }
0x76: {  	[sflag:s11] =	ssyncset.done $0x0  }
0x77: {  	[sflag:s11] =	ssyncadd.s32 $0xFFFFE000  }
0x78: {  	_ =	sfence.sel $0x180000  }
0x79: {  	[bflag:$0x0] =	sbarrier.arrive $0xFFFF  }
0x7a: {  	_ =	strace $0x9000004A  }
0x7b: {  	s0 =	stileid.u32;
	[bflag:$0x2] =	sbarrier.arrive $0xFFFF  }
0x7c: {  	p0 =	sne.s32 s0, $0x0;
	s0 =	rddreg [dreg:$0x2]  }
0x7d: {  	s0 =	sadd.s32 @!p0 $0x100000, s0  }
0x7e: {  	[sflag:s0] =	ssyncadd.tile.s32 @!p0 $0x1;
	_ =	shalt  }
.Lfunc_end2:
_tile_overlayer_lowered:
.L_overlay_start_2:
0x7f: {  	(tag) =	ssettag $0x2  }
0x80: {  	s0 =	rddreg [dreg:$0x0];
	s2 =	stileid.u32  }
0x81: {  	s1 =	rddreg [dreg:$0x1];
	p0 =	sne.s32 s2, $0x0  }
0x82: {  	s3 =	rddreg [dreg:$0x2];
	[bflag:$0x3] =	sbarrier.arrive $0xFFFF;
	s2 =	simm.s32 @!p0 $0x1C03  }
0x83: {  	[timem:s3], [sflag:s2] =	dma.local @!p0 [hbm:s0], s1  }
0x84: {  	s0 =	simm.s32 @!p0 $0x3  }
0x85: {  	_ =	swait.ge @!p0 [sflag:s0], s1  }
0x86: {  	s1 =	ssub.s32 @!p0 $0x0, s1;
	[sflag:s0] =	ssyncset.done @!p0 $0x0  }
0x87: {  	[sflag:s0] =	ssyncadd.s32 @!p0 s1  }
0x88: {  	[bflag:$0x3] =	sbarrier.arrive $0xFFFF  }
0x89: {  	_ =	shalt  }

// kernel: kernel.15.cloned.1.call-start
scs
__scs_entry_jumppad:
0x0: {  	(pc) =	sbr.rel $0x88, $3  }
0x1: {  	(tag) =	ssettag $0x0;
	lr =	simm.s32 $0x1  }
0x2: {  	[smem:$0x3F94] =	sst lr;
	_ =	strace $0xD0000000  }
0x3: {  	_ = 	snop  }
0x4: {  	_ = 	snop  }
0x5: {  	_ = 	snop  }
0x6: {  	_ = 	snop  }
0x7: {  	_ = 	snop  }
__scs_overlays_trampoline_lowered:
0x8: {  	[smem:$0x3FA3] =	sst s0  }
0x9: {  	[smem:$0x3FA4] =	sst s1  }
0xa: {  	[smem:$0x3FA5] =	sst s2  }
0xb: {  	[smem:$0x3FA6] =	sst s3  }
0xc: {  	[smem:$0x3FA7] =	sst s4  }
0xd: {  	[smem:$0x3FA8] =	sst s5  }
0xe: {  	[smem:$0x3FA9] =	sst s6  }
0xf: {  	[smem:$0x3FAA] =	sst s7  }
0x10: {  	[smem:$0x3FAB] =	sst s8  }
0x11: {  	[smem:$0x3FAC] =	sst s9;
	s0 =	simm.s32 @!p0 $0x0  }
0x12: {  	s1 =	sld [smem:$0x3F92];
	s0 =	simm.s32 @p0 $0x1  }
0x13: {  	[smem:$0x3FAD] =	sst s0;
	s0 =	simm.s32 @!p1 $0x0  }
0x14: {  	s2 =	sld [smem:$0x3F91];
	s0 =	simm.s32 @p1 $0x1  }
0x15: {  	[smem:$0x3FAE] =	sst s0;
	s0 =	simm.s32 @!p2 $0x0  }
0x16: {  	s3 =	sld [smem:$0x3FDB];
	s0 =	simm.s32 @p2 $0x1  }
0x17: {  	s4 =	simm.s32 $0x1BF5;
	[smem:$0x3FB0] =	sst s0  }
0x18: {  	s0 =	sld [smem:$0x3F93];
	_ =	swait.ge [sflag:s4], $0x0  }
0x19: {  	s7 =	sld [smem:$0x3F94]  }
0x1a: {  	s8 =	sadd.s32 $0xFFFFE003, lr  }
0x1b: {  	s9 =	sadd.s32 $0xFFFFFEF7, lr;
	s5 =	simm.s32 $0xFFFFFFFF;
	p2 =	slt.u32 s8, $0xFFFFF086  }
0x1c: {  	p1 =	slt.u32 s9, $0xF7A;
	s5 =	simm.s32 @!p2 $0x0  }
0x1d: {  	s5 =	simm.s32 @p1 $0x1;
	p0 =	seq.s32 s7, s2  }
0x1e: {  	s7 =	smul.u32 @!p0 $0xF7A, s2;
	p2 =	seq.s32 @!p0 s5, $0x0  }
0x1f: {  	s9 =	smul.u32 $0xF7A, s1;
	s8 =	simm.s32 @!p0 $0x1BF5;
	p2 =	por !p2, p0  }
0x20: {  	[sflag:s8] =	ssyncset.s32 @!p0 $0xFFFFF086;
	s6 =	sadd.s32 @!p0 s3, s7;
	s7 =	simm.s32 @!p0 $0x108  }
0x21: {  	s3 =	sadd.s32 s3, s9;
	s6 =	sadd.s32 @!p0 $0x88, s6;
	s7 =	simm.s32 @p2 $0x1082  }
0x22: {  	[simem:s7], [sflag:s8] =	dma.local @!p0 [hbm:s6], $0xF7A  }
0x23: {  	s9 =	sor.u32 $0xD0000000, s2;
	s6 =	simm.s32 $0x108;
	_ =	swait.ge @!p0 [sflag:s8], $0x0  }
0x24: {  	s3 =	sadd.s32 $0x88, s3;
	s6 =	simm.s32 @!p1 $0x1082;
	[sflag:s4] =	ssyncset.s32 $0xFFFFF086  }
0x25: {  	[simem:s6], [sflag:s4] =	dma.local [hbm:s3], $0xF7A  }
0x26: {  	[smem:$0x3F94] =	sst s1;
	(tag) =	ssettag s2;
	_ =	strace s9  }
0x27: {  	s1 =	sld [smem:$0x3FA4]  }
0x28: {  	s2 =	sld [smem:$0x3FA5]  }
0x29: {  	s4 =	sld [smem:$0x3FA7]  }
0x2a: {  	p0 =	seq.s32 s5, $0x0;
	s5 =	sld [smem:$0x3FA8]  }
0x2b: {  	s6 =	sld [smem:$0x3FA9]  }
0x2c: {  	s7 =	sld [smem:$0x3FAA]  }
0x2d: {  	s3 =	simm.s32 $0x108;
	s8 =	sld [smem:$0x3FAB]  }
0x2e: {  	s3 =	simm.s32 @!p0 $0x1082;
	s9 =	sld [smem:$0x3FAC]  }
0x2f: {  	lr =	sadd.s32 s0, s3;
	s0 =	sld [smem:$0x3FA3]  }
0x30: {  	s3 =	sld [smem:$0x3FA6]  }
0x31: {  	[smem:$0x3FAF] =	sst s10  }
0x32: {  	s10 =	sld [smem:$0x3FAD];
	_ =	sdelay $0x3  }
0x33: {  	p0 =	seq.s32 s10, $0x1;
	s10 =	sld [smem:$0x3FAF];
	_ =	sdelay $0x3  }
0x34: {  	[smem:$0x3FAF] =	sst s10  }
0x35: {  	s10 =	sld [smem:$0x3FAE];
	_ =	sdelay $0x3  }
0x36: {  	p1 =	seq.s32 s10, $0x1;
	s10 =	sld [smem:$0x3FAF];
	_ =	sdelay $0x3  }
0x37: {  	[smem:$0x3FAF] =	sst s10  }
0x38: {  	s10 =	sld [smem:$0x3FB0]  }
0x39: {  	_ = 	snop;
	(pc) =	sbr.ind lr, $3  }
0x3a: {  	_ = 	snop  }
0x3b: {  	_ = 	snop  }
0x3c: {  	p2 =	seq.s32 s10, $0x1;
	s10 =	sld [smem:$0x3FAF]  }
0x3d: {  	_ =	shalt  }
0x3e: {  	_ =	shalt  }
0x3f: {  	_ =	shalt  }
0x40: {  	_ =	shalt  }
0x41: {  	_ =	shalt  }
0x42: {  	_ =	shalt  }
0x43: {  	_ =	shalt  }
0x44: {  	_ =	shalt  }
0x45: {  	_ =	shalt  }
0x46: {  	_ =	shalt  }
0x47: {  	_ =	shalt  }
0x48: {  	_ =	shalt  }
0x49: {  	_ =	shalt  }
0x4a: {  	_ =	shalt  }
0x4b: {  	_ =	shalt  }
0x4c: {  	_ =	shalt  }
0x4d: {  	_ =	shalt  }
0x4e: {  	_ =	shalt  }
0x4f: {  	_ =	shalt  }
0x50: {  	_ =	shalt  }
0x51: {  	_ =	shalt  }
0x52: {  	_ =	shalt  }
0x53: {  	_ =	shalt  }
0x54: {  	_ =	shalt  }
0x55: {  	_ =	shalt  }
0x56: {  	_ =	shalt  }
0x57: {  	_ =	shalt  }
0x58: {  	_ =	shalt  }
0x59: {  	_ =	shalt  }
0x5a: {  	_ =	shalt  }
0x5b: {  	_ =	shalt  }
0x5c: {  	_ =	shalt  }
0x5d: {  	_ =	shalt  }
0x5e: {  	_ =	shalt  }
0x5f: {  	_ =	shalt  }
0x60: {  	_ =	shalt  }
0x61: {  	_ =	shalt  }
0x62: {  	_ =	shalt  }
0x63: {  	_ =	shalt  }
0x64: {  	_ =	shalt  }
0x65: {  	_ =	shalt  }
0x66: {  	_ =	shalt  }
0x67: {  	_ =	shalt  }
0x68: {  	_ =	shalt  }
0x69: {  	_ =	shalt  }
0x6a: {  	_ =	shalt  }
0x6b: {  	_ =	shalt  }
0x6c: {  	_ =	shalt  }
0x6d: {  	_ =	shalt  }
0x6e: {  	_ =	shalt  }
0x6f: {  	_ =	shalt  }
0x70: {  	_ =	shalt  }
0x71: {  	_ =	shalt  }
0x72: {  	_ =	shalt  }
0x73: {  	_ =	shalt  }
0x74: {  	_ =	shalt  }
0x75: {  	_ =	shalt  }
0x76: {  	_ =	shalt  }
0x77: {  	_ =	shalt  }
0x78: {  	_ =	shalt  }
0x79: {  	_ =	shalt  }
0x7a: {  	_ =	shalt  }
0x7b: {  	_ =	shalt  }
0x7c: {  	_ =	shalt  }
0x7d: {  	_ =	shalt  }
0x7e: {  	_ =	shalt  }
0x7f: {  	_ =	shalt  }
0x80: {  	_ =	shalt  }
0x81: {  	_ =	shalt  }
0x82: {  	_ =	shalt  }
0x83: {  	_ =	shalt  }
0x84: {  	_ =	shalt  }
0x85: {  	_ =	shalt  }
0x86: {  	_ =	shalt  }
0x87: {  	_ =	shalt  }
.Lfunc_end0:
.L_simem_size_0:
called_computation.2_lowered:
.L_overlay_start_0:
0x88: {  	s2 =	sld [smem:$0x3FD9]  }
0x89: {  	s3 =	sld [smem:$0x3FFE];
	_ =	sdelay $0x1  }
0x8a: {  	s1 =	srdreg.scid  }
0x8b: {  	s0 =	sand.u32 $0x1, s1  }
0x8c: {  	s16 =	sshll.u32 s0, $0xA;
	s2 =	sadd.s32 s3, s2  }
0x8d: {  	s2 =	sadd.s32 s2, s16  }
0x8e: {  	[smem:$0x3FBB] =	sst s2  }
0x8f: {  	_ = 	snop  }
0x90: {  	(tm) =	ssettm $0x1  }
0x91: {  	s17 =	sld [smem:$0x3FFB];
	_ =	sdelay $0x3  }
0x92: {  	_ =	strace s17  }
0x93: {  	s2 =	sld [smem:$0x3FFC];
	_ =	sdelay $0x3  }
0x94: {  	_ =	strace s2  }
0x95: {  	s2 =	sld [smem:$0x3FFD];
	_ =	sdelay $0x3  }
0x96: {  	_ =	strace s2  }
0x97: {  	_ =	strace $0x8FFFFFFF  }
0x98: {  	s18 =	sld [smem:$0x3FDB];
	_ =	sdelay $0x1  }
0x99: {  	s19 =	simm.s32 $_scs_section_size  }
0x9a: {  	s4 =	simm.s32 $_size__tile_overlayer_lowered;
	s5 =	simm.s32 $_tile_overlayer_lowered  }
0x9b: {  	s22 =	simm.s32 $0x1BFF;
	s21 =	sshll.u32 s5, $0x1;
	s2 =	sadd.s32 s19, s18  }
0x9c: {  	s6 =	simm.s32 $0x0;
	s20 =	sshll.u32 s4, $0x1;
	s4 =	sadd.s32 s21, s2  }
0x9d: {  	[timem:s6], [sflag:s22] =	dma.local [hbm:s4], s20  }
0x9e: {  	_ =	swait.ge [sflag:s22], s20  }
0x9f: {  	s3 =	ssub.s32 $0x0, s20;
	[sflag:s22] =	ssyncset.done $0x0  }
0xa0: {  	[sflag:s22] =	ssyncadd.s32 s3;
	_ =	sdelay $0x1  }
0xa1: {  	s23 =	simm.s32 $0x1B8B  }
0xa2: {  	_ =	swait.ge [sflag:s23], $0x1  }
0xa3: {  	[sflag:s23] =	ssyncset.done $0x0  }
0xa4: {  	s25 =	simm.s32 $0x1B8E;
	s24 =	sld [smem:$0x3FFE];
	[sflag:s23] =	ssyncadd.s32 $0xFFFFFFFF  }
0xa5: {  	s26 =	simm.s32 $execute0_lowered;
	[smem:$0x3FD2] =	sst s25  }
0xa6: {  	s4 =	sshll.u32 s26, $0x1;
	_ =	strace $0x8000004C;
	[dreg:$0x1] =	wrdreg $0xFFFFFFFF  }
0xa7: {  	s28 =	simm.s32 $_size_execute0_lowered;
	s2 =	sadd.s32 s2, s4;
	[dreg:$0x0] =	wrdreg $0x0  }
0xa8: {  	s4 =	sshll.u32 s28, $0x1;
	[dreg:$0x2] =	wrdreg s2  }
0xa9: {  	[dreg:$0x3] =	wrdreg s4  }
0xaa: {  	[dreg:$0x4] =	wrdreg $0xC0  }
0xab: {  	_ =	task [dreg:s6], $0x5FFFF  }
0xac: {  	[dreg:$0x1] =	wrdreg $0xFFFFFFFF  }
0xad: {  	[dreg:$0x0] =	wrdreg $0x60  }
0xae: {  	[dreg:$0x2] =	wrdreg s24  }
0xaf: {  	[dreg:$0x3] =	wrdreg $0xC0000  }
0xb0: {  	[dreg:$0x4] =	wrdreg $0x9  }
0xb1: {  	_ =	task.clear_ibuf [dreg:s6], $0x5FFFF;
	_ =	strace $0x9000004C  }
0xb2: {  	s29 =	simm.s32 $0x9;
	_ =	strace $0x8000004E  }
0xb3: {  	_ =	swait.ge [sflag:s29], $0x1  }
0xb4: {  	[sflag:s29] =	ssyncadd.s32 $0xFFFFFFFF  }
0xb5: {  	_ =	strace $0x9000004E  }
0xb6: {  	_ =	sfence  }
0xb7: {  	s30 =	sld [smem:$0x0];
	_ =	sdelay $0x2  }
0xb8: {  	s31 =	sshll.u32 s1, $0xD;
	s1 =	sshrl.u32 s1, $0x2  }
0xb9: {  	s3 =	sand.u32 $0x4000, s31;
	s1 =	sadd.s32 s1, s30  }
0xba: {  	s0 =	sor.u32 s3, s0;
	s1 =	sshll.u32 s1, $0x11  }
0xbb: {  	s0 =	sor.u32 s1, s0  }
0xbc: {  	s0 =	sadd.s32 $0x8F2B, s0  }
0xbd: {  	[sflag:s0] =	ssyncadd.remote.s32 $0x1  }
0xbe: {  	_ =	sfence.sel $0xFFFF  }
0xbf: {  	[dreg:$0x0] =	wrdreg $0xFFFFFFFF;
	(pc) =	sbr.abs _section_cstart, $3  }
0xc0: {  	[dreg:$0x1] =	wrdreg $0xFFFFFFFF  }
0xc1: {  	_ =	task.clear_ibuf [dreg:s6], $0x2FFFF;
	_ =	strace $0x9FFFFFFF  }
0xc2: {  	(tm) =	ssettm $0x7FFFFFFF  }
0xc3: {  	_ =	shalt  }
tec
execute0_lowered:
.L_overlay_start_1:
0x0: {  	(tag) =	ssettag $0x1  }
0x1: {  	s6 =	rddreg [dreg:$0x0]  }
0x2: {  	s2 =	rddreg [dreg:$0x1]  }
0x3: {  	s4 =	srdreg.scid;
	s3 =	simm.s32 $0x0;
	s0 =	stileid.u32  }
0x4: {  	s12 =	simm.s32 $0xA000;
	s19 =	simm.s32 $0x80;
	s20 =	simm.s32 $0x4000  }
0x5: {  	s21 =	simm.s32 $0x1;
	s22 =	simm.s32 $0x2;
	s23 =	simm.s32 $0x9F80  }
0x6: {  	s24 =	simm.s32 $0xBF00;
	s26 =	simm.s32 $0xBF80;
	s28 =	simm.s32 $0x0  }
0x7: {  	s8 =	sand.u32 $0x1, s4;
	[smem:$0x7FF] =	sst s3;
	s5 =	sshll.u32 s0, $0xA  }
0x8: {  	s9 =	smul.u32 $0x50000, s0;
	s10 =	sshll.u32 s0, $0xD;
	s31 =	sshll.u32 s0, $0x10  }
0x9: {  	s13 =	sshll.u32 s0, $0x6;
	s4 =	sshll.u32 s8, $0xE;
	_ =	strace $0x8000004D  }
0xa: {  	s11 =	ssub.s32 $0x2, s8;
	s10 =	sadd.s32 s10, s6;
	s8 =	sshll.u32 s8, $0x11  }
0xb: {  	s25 =	sadd.s32 s31, s2;
	s13 =	sor.u32 $0x1C03, s13;
	s5 =	sor.u32 s5, s4  }
0xc: {  	s4 =	sadd.s32 $0x53C00, s6;
	s30 =	sshrl.u32 s11, $0x1;
	s9 =	sshrl.u32 s9, $0x2  }
0xd: {  	s8 =	sadd.s32 s8, s10;
	s10 =	simm.s32 $0x8000;
	s25 =	sshrl.u32 s25, $0x3  }
0xe: {  	s7 =	sadd.s32 s5, s6;
	s5 =	sadd.s32 $0xD3C00, s6;
	s11 =	ssub.s32 s11, s30  }
0xf: {  	s14 =	sadd.s32 s9, s2;
	s8 =	sadd.s32 $0x93C00, s8;
	s6 =	sadd.s32 $0x43C00, s7  }
0x10: {  	s7 =	sadd.s32 $0x4BC00, s7;
	s15 =	sadd.s32 $0x4000, s14;
	s16 =	sadd.s32 $0x8000, s14  }
0x11: {  	s17 =	sadd.s32 $0xC000, s14;
	s18 =	sadd.s32 $0x10000, s14;
	s9 =	smax.u32 s11, $0x1  }
0x12: {  	s11 =	simm.s32 $0x3;
	s14 =	sshrl.u32 s14, $0x3;
	s15 =	sshrl.u32 s15, $0x3  }
0x13: {  	s16 =	sshrl.u32 s16, $0x3;
	s17 =	sshrl.u32 s17, $0x3;
	s18 =	sshrl.u32 s18, $0x3  }
.LBB2_1:
0x14: {  	[tilespmem:s10], [sflag:$0x3] =	stream.linear.gather [hbm4b:s6+s3], $0x2000, $0x38;
	v63 =	vld [tilespmem:$0x0]  }
0x15: {  	_ =	swait.ge [sflag:s11], $0x2000  }
0x16: {  	[sflag:s11] =	ssyncset.done $0x0  }
0x17: {  	[sflag:s11] =	ssyncadd.s32 $0xFFFFE000  }
0x18: {  	[tilespmem:s12], [sflag:$0x3] =	stream.linear.gather [hbm4b:s7+s3], $0x2000, $0x38;
	v63 =	vld [tilespmem:$0x0]  }
0x19: {  	_ =	swait.ge [sflag:s11], $0x2000  }
0x1a: {  	[sflag:s11] =	ssyncset.done $0x0  }
0x1b: {  	[sflag:s11] =	ssyncadd.s32 $0xFFFFE000  }
0x1c: {  	[spmem:s14], [sflag:s13] =	dma.local [hbm:s5], $0x800  }
0x1d: {  	_ =	swait.ge [sflag:s11], $0x800  }
0x1e: {  	[sflag:s11] =	ssyncset.done $0x0  }
0x1f: {  	[sflag:s11] =	ssyncadd.s32 $0xFFFFF800  }
0x20: {  	[spmem:s15], [sflag:s13] =	dma.local [hbm:s5], $0x800  }
0x21: {  	_ =	swait.ge [sflag:s11], $0x800  }
0x22: {  	[sflag:s11] =	ssyncset.done $0x0  }
0x23: {  	[sflag:s11] =	ssyncadd.s32 $0xFFFFF800  }
0x24: {  	[spmem:s16], [sflag:s13] =	dma.local [hbm:s5], $0x800  }
0x25: {  	_ =	swait.ge [sflag:s11], $0x800  }
0x26: {  	[sflag:s11] =	ssyncset.done $0x0  }
0x27: {  	[sflag:s11] =	ssyncadd.s32 $0xFFFFF800  }
0x28: {  	[spmem:s17], [sflag:s13] =	dma.local [hbm:s5], $0x800  }
0x29: {  	_ =	swait.ge [sflag:s11], $0x800  }
0x2a: {  	[sflag:s11] =	ssyncset.done $0x0  }
0x2b: {  	[sflag:s11] =	ssyncadd.s32 $0xFFFFF800  }
0x2c: {  	[spmem:s18], [sflag:s13] =	dma.local [hbm:s5], $0x800  }
0x2d: {  	_ =	swait.ge [sflag:s11], $0x800  }
0x2e: {  	[sflag:s11] =	ssyncset.done $0x0  }
0x2f: {  	[sflag:s11] =	ssyncadd.s32 $0xFFFFF800  }
0x30: {  	[bflag:$0x0] =	sbarrier.arrive $0xFFFF  }
0x31: {  	[tilespmem:s3], [sflag:$0x1] =	stream.indirect.gather [hbm4b:s4+s19], $0x80, s10, s19, $0xb8;
	v63 =	vld [tilespmem:$0x0]  }
0x32: {  	s29 =	simm.s32 $0x8080  }
0x33: {  	[tilespmem:s20], [sflag:$0x2] =	stream.indirect.gather [hbm4b:s4+s19], $0x80, s29, s19, $0xb8;
	v63 =	vld [tilespmem:$0x0]  }
0x34: {  	_ =	swait.ge [sflag:s21], $0x4000  }
0x35: {  	[sflag:s21] =	ssyncset.done $0x0  }
0x36: {  	s29 =	simm.s32 $0xA000;
	[sflag:s21] =	ssyncadd.s32 $0xFFFFC000  }
0x37: {  	[spmem:s2] =	stream.indirect.scatter.add.f32 [tilespmem:s3], [sflag:$0x3], $0x80, s29, s19, $0xb8;
	v63 =	vld [tilespmem:$0x0]  }
0x38: {  	_ =	swait.ge [sflag:s11], $0x4000  }
0x39: {  	[sflag:s11] =	ssyncset.done $0x0  }
0x3a: {  	s29 =	simm.s32 $0x8100;
	[sflag:s11] =	ssyncadd.s32 $0xFFFFC000  }
0x3b: {  	[tilespmem:s3], [sflag:$0x1] =	stream.indirect.gather [hbm4b:s4+s19], $0x80, s29, s19, $0xb8;
	v63 =	vld [tilespmem:$0x0]  }
0x3c: {  	_ =	swait.ge [sflag:s22], $0x4000  }
0x3d: {  	[sflag:s22] =	ssyncset.done $0x0  }
0x3e: {  	s29 =	simm.s32 $0xA080;
	[sflag:s22] =	ssyncadd.s32 $0xFFFFC000  }
0x3f: {  	[spmem:s2] =	stream.indirect.scatter.add.f32 [tilespmem:s20], [sflag:$0x3], $0x80, s29, s19, $0xb8;
	v63 =	vld [tilespmem:$0x0]  }
0x40: {  	_ =	swait.ge [sflag:s11], $0x4000  }
0x41: {  	s30 =	simm.s32 $0x800;
	s29 =	simm.s32 $0x100;
	[sflag:s11] =	ssyncset.done $0x0  }
.LBB2_2:
0x42: {  	s31 =	sadd.s32 $0x8080, s29  }
0x43: {  	[sflag:s11] =	ssyncadd.s32 $0xFFFFC000;
	s0 =	smov.u32 s30;
	s1 =	sadd.s32 $0x400, s30  }
0x44: {  	[tilespmem:s20], [sflag:$0x2] =	stream.indirect.gather [hbm4b:s4+s19], $0x80, s31, s19, $0xb8;
	v63 =	vld [tilespmem:$0x0]  }
0x45: {  	p0 =	sne.s32 s30, $0x7800;
	_ =	swait.ge [sflag:s21], $0x4000  }
0x46: {  	[sflag:s21] =	ssyncset.done $0x0  }
0x47: {  	s30 =	sadd.s32 $0xA000, s29;
	[sflag:s21] =	ssyncadd.s32 $0xFFFFC000  }
0x48: {  	[spmem:s2] =	stream.indirect.scatter.add.f32 [tilespmem:s3], [sflag:$0x3], $0x80, s30, s19, $0xb8;
	v63 =	vld [tilespmem:$0x0]  }
0x49: {  	_ =	swait.ge [sflag:s11], $0x4000  }
0x4a: {  	[sflag:s11] =	ssyncset.done $0x0  }
0x4b: {  	s30 =	sadd.s32 $0x8100, s29;
	[sflag:s11] =	ssyncadd.s32 $0xFFFFC000  }
0x4c: {  	[tilespmem:s3], [sflag:$0x1] =	stream.indirect.gather [hbm4b:s4+s19], $0x80, s30, s19, $0xb8;
	v63 =	vld [tilespmem:$0x0]  }
0x4d: {  	_ =	swait.ge [sflag:s22], $0x4000  }
.Ltmp0:
0x4e: {  	[sflag:s22] =	ssyncset.done $0x0;
	(pc) =	sbr.rel @p0 .LBB2_2-.Ltmp0, $4  }
0x4f: {  	s29 =	sadd.s32 $0xA080, s29;
	[sflag:s22] =	ssyncadd.s32 $0xFFFFC000  }
0x50: {  	[spmem:s2] =	stream.indirect.scatter.add.f32 [tilespmem:s20], [sflag:$0x3], $0x80, s29, s19, $0xb8;
	v63 =	vld [tilespmem:$0x0]  }
0x51: {  	_ =	swait.ge [sflag:s11], $0x4000  }
0x52: {  	s30 =	smov.u32 s1;
	s29 =	sshra.s32 s0, $0x2;
	[sflag:s11] =	ssyncset.done $0x0  }
0x53: {  	s0 =	sadd.s32 $0x8080, s29;
	[sflag:s11] =	ssyncadd.s32 $0xFFFFC000  }
0x54: {  	[tilespmem:s20], [sflag:$0x2] =	stream.indirect.gather [hbm4b:s4+s19], $0x80, s0, s19, $0xb8;
	v63 =	vld [tilespmem:$0x0]  }
0x55: {  	_ =	swait.ge [sflag:s21], $0x4000  }
0x56: {  	[sflag:s21] =	ssyncset.done $0x0  }
0x57: {  	s1 =	sadd.s32 $0xA000, s29;
	[sflag:s21] =	ssyncadd.s32 $0xFFFFC000  }
0x58: {  	[spmem:s2] =	stream.indirect.scatter.add.f32 [tilespmem:s3], [sflag:$0x3], $0x80, s1, s19, $0xb8;
	v63 =	vld [tilespmem:$0x0]  }
0x59: {  	_ =	swait.ge [sflag:s11], $0x4000  }
0x5a: {  	[sflag:s11] =	ssyncset.done $0x0  }
0x5b: {  	s30 =	sadd.s32 $0x8100, s29;
	[sflag:s11] =	ssyncadd.s32 $0xFFFFC000  }
0x5c: {  	[tilespmem:s3], [sflag:$0x1] =	stream.indirect.gather [hbm4b:s4+s19], $0x80, s30, s19, $0xb8;
	v63 =	vld [tilespmem:$0x0]  }
0x5d: {  	_ =	swait.ge [sflag:s22], $0x4000  }
0x5e: {  	[sflag:s22] =	ssyncset.done $0x0  }
0x5f: {  	s31 =	sadd.s32 $0xA080, s29;
	[sflag:s22] =	ssyncadd.s32 $0xFFFFC000  }
0x60: {  	[spmem:s2] =	stream.indirect.scatter.add.f32 [tilespmem:s20], [sflag:$0x3], $0x80, s31, s19, $0xb8;
	v63 =	vld [tilespmem:$0x0]  }
0x61: {  	_ =	swait.ge [sflag:s11], $0x4000  }
0x62: {  	[sflag:s11] =	ssyncset.done $0x0  }
0x63: {  	[sflag:s11] =	ssyncadd.s32 $0xFFFFC000  }
0x64: {  	[tilespmem:s20], [sflag:$0x2] =	stream.indirect.gather [hbm4b:s4+s19], $0x80, s23, s19, $0xb8;
	v63 =	vld [tilespmem:$0x0]  }
0x65: {  	_ =	swait.ge [sflag:s21], $0x4000  }
0x66: {  	[sflag:s21] =	ssyncset.done $0x0  }
0x67: {  	[sflag:s21] =	ssyncadd.s32 $0xFFFFC000  }
0x68: {  	[spmem:s2] =	stream.indirect.scatter.add.f32 [tilespmem:s3], [sflag:$0x3], $0x80, s24, s19, $0xb8;
	v63 =	vld [tilespmem:$0x0]  }
0x69: {  	_ =	swait.ge [sflag:s11], $0x4000  }
0x6a: {  	[sflag:s11] =	ssyncset.done $0x0  }
0x6b: {  	[sflag:s11] =	ssyncadd.s32 $0xFFFFC000  }
0x6c: {  	_ =	swait.ge [sflag:s22], $0x4000  }
0x6d: {  	[sflag:s22] =	ssyncset.done $0x0  }
0x6e: {  	[sflag:s22] =	ssyncadd.s32 $0xFFFFC000  }
0x6f: {  	[spmem:s2] =	stream.indirect.scatter.add.f32 [tilespmem:s20], [sflag:$0x3], $0x80, s26, s19, $0xb8;
	v63 =	vld [tilespmem:$0x0]  }
0x70: {  	_ =	swait.ge [sflag:s11], $0x4000  }
0x71: {  	s28 =	sadd.s32 $0x1, s28;
	[sflag:s11] =	ssyncset.done $0x0  }
0x72: {  	p0 =	sne.s32 s28, s9;
	[sflag:s11] =	ssyncadd.s32 $0xFFFFC000  }
.Ltmp1:
0x73: {  	[bflag:$0x0] =	sbarrier.arrive $0xFFFF;
	(pc) =	sbr.rel @p0 .LBB2_1-.Ltmp1, $4  }
0x74: {  	[hbm:s8], [sflag:s13] =	dma.local [spmem:s25], $0x2000  }
0x75: {  	_ =	swait.ge [sflag:s11], $0x2000  }
0x76: {  	[sflag:s11] =	ssyncset.done $0x0  }
0x77: {  	[sflag:s11] =	ssyncadd.s32 $0xFFFFE000  }
0x78: {  	_ =	sfence.sel $0x180000  }
0x79: {  	[bflag:$0x0] =	sbarrier.arrive $0xFFFF  }
0x7a: {  	_ =	strace $0x9000004D  }
0x7b: {  	s0 =	stileid.u32;
	[bflag:$0x2] =	sbarrier.arrive $0xFFFF  }
0x7c: {  	p0 =	sne.s32 s0, $0x0;
	s0 =	rddreg [dreg:$0x2]  }
0x7d: {  	s0 =	sadd.s32 @!p0 $0x100000, s0  }
0x7e: {  	[sflag:s0] =	ssyncadd.tile.s32 @!p0 $0x1;
	_ =	shalt  }
.Lfunc_end2:
_tile_overlayer_lowered:
.L_overlay_start_2:
0x7f: {  	(tag) =	ssettag $0x2  }
0x80: {  	s0 =	rddreg [dreg:$0x0];
	s2 =	stileid.u32  }
0x81: {  	s1 =	rddreg [dreg:$0x1];
	p0 =	sne.s32 s2, $0x0  }
0x82: {  	s3 =	rddreg [dreg:$0x2];
	[bflag:$0x3] =	sbarrier.arrive $0xFFFF;
	s2 =	simm.s32 @!p0 $0x1C03  }
0x83: {  	[timem:s3], [sflag:s2] =	dma.local @!p0 [hbm:s0], s1  }
0x84: {  	s0 =	simm.s32 @!p0 $0x3  }
0x85: {  	_ =	swait.ge @!p0 [sflag:s0], s1  }
0x86: {  	s1 =	ssub.s32 @!p0 $0x0, s1;
	[sflag:s0] =	ssyncset.done @!p0 $0x0  }
0x87: {  	[sflag:s0] =	ssyncadd.s32 @!p0 s1  }
0x88: {  	[bflag:$0x3] =	sbarrier.arrive $0xFFFF  }
0x89: {  	_ =	shalt  }

// kernel: kernel.9.cloned.1.call-start
scs
__scs_entry_jumppad:
0x0: {  	(pc) =	sbr.rel $0x88, $3  }
0x1: {  	(tag) =	ssettag $0x0;
	lr =	simm.s32 $0x1  }
0x2: {  	[smem:$0x3F94] =	sst lr;
	_ =	strace $0xD0000000  }
0x3: {  	_ = 	snop  }
0x4: {  	_ = 	snop  }
0x5: {  	_ = 	snop  }
0x6: {  	_ = 	snop  }
0x7: {  	_ = 	snop  }
__scs_overlays_trampoline_lowered:
0x8: {  	[smem:$0x3FA3] =	sst s0  }
0x9: {  	[smem:$0x3FA4] =	sst s1  }
0xa: {  	[smem:$0x3FA5] =	sst s2  }
0xb: {  	[smem:$0x3FA6] =	sst s3  }
0xc: {  	[smem:$0x3FA7] =	sst s4  }
0xd: {  	[smem:$0x3FA8] =	sst s5  }
0xe: {  	[smem:$0x3FA9] =	sst s6  }
0xf: {  	[smem:$0x3FAA] =	sst s7  }
0x10: {  	[smem:$0x3FAB] =	sst s8  }
0x11: {  	[smem:$0x3FAC] =	sst s9;
	s0 =	simm.s32 @!p0 $0x0  }
0x12: {  	s1 =	sld [smem:$0x3F92];
	s0 =	simm.s32 @p0 $0x1  }
0x13: {  	[smem:$0x3FAD] =	sst s0;
	s0 =	simm.s32 @!p1 $0x0  }
0x14: {  	s2 =	sld [smem:$0x3F91];
	s0 =	simm.s32 @p1 $0x1  }
0x15: {  	[smem:$0x3FAE] =	sst s0;
	s0 =	simm.s32 @!p2 $0x0  }
0x16: {  	s3 =	sld [smem:$0x3FDB];
	s0 =	simm.s32 @p2 $0x1  }
0x17: {  	s4 =	simm.s32 $0x1BF5;
	[smem:$0x3FB0] =	sst s0  }
0x18: {  	s0 =	sld [smem:$0x3F93];
	_ =	swait.ge [sflag:s4], $0x0  }
0x19: {  	s7 =	sld [smem:$0x3F94]  }
0x1a: {  	s8 =	sadd.s32 $0xFFFFE003, lr  }
0x1b: {  	s9 =	sadd.s32 $0xFFFFFEF7, lr;
	s5 =	simm.s32 $0xFFFFFFFF;
	p2 =	slt.u32 s8, $0xFFFFF086  }
0x1c: {  	p1 =	slt.u32 s9, $0xF7A;
	s5 =	simm.s32 @!p2 $0x0  }
0x1d: {  	s5 =	simm.s32 @p1 $0x1;
	p0 =	seq.s32 s7, s2  }
0x1e: {  	s7 =	smul.u32 @!p0 $0xF7A, s2;
	p2 =	seq.s32 @!p0 s5, $0x0  }
0x1f: {  	s9 =	smul.u32 $0xF7A, s1;
	s8 =	simm.s32 @!p0 $0x1BF5;
	p2 =	por !p2, p0  }
0x20: {  	[sflag:s8] =	ssyncset.s32 @!p0 $0xFFFFF086;
	s6 =	sadd.s32 @!p0 s3, s7;
	s7 =	simm.s32 @!p0 $0x108  }
0x21: {  	s3 =	sadd.s32 s3, s9;
	s6 =	sadd.s32 @!p0 $0x88, s6;
	s7 =	simm.s32 @p2 $0x1082  }
0x22: {  	[simem:s7], [sflag:s8] =	dma.local @!p0 [hbm:s6], $0xF7A  }
0x23: {  	s9 =	sor.u32 $0xD0000000, s2;
	s6 =	simm.s32 $0x108;
	_ =	swait.ge @!p0 [sflag:s8], $0x0  }
0x24: {  	s3 =	sadd.s32 $0x88, s3;
	s6 =	simm.s32 @!p1 $0x1082;
	[sflag:s4] =	ssyncset.s32 $0xFFFFF086  }
0x25: {  	[simem:s6], [sflag:s4] =	dma.local [hbm:s3], $0xF7A  }
0x26: {  	[smem:$0x3F94] =	sst s1;
	(tag) =	ssettag s2;
	_ =	strace s9  }
0x27: {  	s1 =	sld [smem:$0x3FA4]  }
0x28: {  	s2 =	sld [smem:$0x3FA5]  }
0x29: {  	s4 =	sld [smem:$0x3FA7]  }
0x2a: {  	p0 =	seq.s32 s5, $0x0;
	s5 =	sld [smem:$0x3FA8]  }
0x2b: {  	s6 =	sld [smem:$0x3FA9]  }
0x2c: {  	s7 =	sld [smem:$0x3FAA]  }
0x2d: {  	s3 =	simm.s32 $0x108;
	s8 =	sld [smem:$0x3FAB]  }
0x2e: {  	s3 =	simm.s32 @!p0 $0x1082;
	s9 =	sld [smem:$0x3FAC]  }
0x2f: {  	lr =	sadd.s32 s0, s3;
	s0 =	sld [smem:$0x3FA3]  }
0x30: {  	s3 =	sld [smem:$0x3FA6]  }
0x31: {  	[smem:$0x3FAF] =	sst s10  }
0x32: {  	s10 =	sld [smem:$0x3FAD];
	_ =	sdelay $0x3  }
0x33: {  	p0 =	seq.s32 s10, $0x1;
	s10 =	sld [smem:$0x3FAF];
	_ =	sdelay $0x3  }
0x34: {  	[smem:$0x3FAF] =	sst s10  }
0x35: {  	s10 =	sld [smem:$0x3FAE];
	_ =	sdelay $0x3  }
0x36: {  	p1 =	seq.s32 s10, $0x1;
	s10 =	sld [smem:$0x3FAF];
	_ =	sdelay $0x3  }
0x37: {  	[smem:$0x3FAF] =	sst s10  }
0x38: {  	s10 =	sld [smem:$0x3FB0]  }
0x39: {  	_ = 	snop;
	(pc) =	sbr.ind lr, $3  }
0x3a: {  	_ = 	snop  }
0x3b: {  	_ = 	snop  }
0x3c: {  	p2 =	seq.s32 s10, $0x1;
	s10 =	sld [smem:$0x3FAF]  }
0x3d: {  	_ =	shalt  }
0x3e: {  	_ =	shalt  }
0x3f: {  	_ =	shalt  }
0x40: {  	_ =	shalt  }
0x41: {  	_ =	shalt  }
0x42: {  	_ =	shalt  }
0x43: {  	_ =	shalt  }
0x44: {  	_ =	shalt  }
0x45: {  	_ =	shalt  }
0x46: {  	_ =	shalt  }
0x47: {  	_ =	shalt  }
0x48: {  	_ =	shalt  }
0x49: {  	_ =	shalt  }
0x4a: {  	_ =	shalt  }
0x4b: {  	_ =	shalt  }
0x4c: {  	_ =	shalt  }
0x4d: {  	_ =	shalt  }
0x4e: {  	_ =	shalt  }
0x4f: {  	_ =	shalt  }
0x50: {  	_ =	shalt  }
0x51: {  	_ =	shalt  }
0x52: {  	_ =	shalt  }
0x53: {  	_ =	shalt  }
0x54: {  	_ =	shalt  }
0x55: {  	_ =	shalt  }
0x56: {  	_ =	shalt  }
0x57: {  	_ =	shalt  }
0x58: {  	_ =	shalt  }
0x59: {  	_ =	shalt  }
0x5a: {  	_ =	shalt  }
0x5b: {  	_ =	shalt  }
0x5c: {  	_ =	shalt  }
0x5d: {  	_ =	shalt  }
0x5e: {  	_ =	shalt  }
0x5f: {  	_ =	shalt  }
0x60: {  	_ =	shalt  }
0x61: {  	_ =	shalt  }
0x62: {  	_ =	shalt  }
0x63: {  	_ =	shalt  }
0x64: {  	_ =	shalt  }
0x65: {  	_ =	shalt  }
0x66: {  	_ =	shalt  }
0x67: {  	_ =	shalt  }
0x68: {  	_ =	shalt  }
0x69: {  	_ =	shalt  }
0x6a: {  	_ =	shalt  }
0x6b: {  	_ =	shalt  }
0x6c: {  	_ =	shalt  }
0x6d: {  	_ =	shalt  }
0x6e: {  	_ =	shalt  }
0x6f: {  	_ =	shalt  }
0x70: {  	_ =	shalt  }
0x71: {  	_ =	shalt  }
0x72: {  	_ =	shalt  }
0x73: {  	_ =	shalt  }
0x74: {  	_ =	shalt  }
0x75: {  	_ =	shalt  }
0x76: {  	_ =	shalt  }
0x77: {  	_ =	shalt  }
0x78: {  	_ =	shalt  }
0x79: {  	_ =	shalt  }
0x7a: {  	_ =	shalt  }
0x7b: {  	_ =	shalt  }
0x7c: {  	_ =	shalt  }
0x7d: {  	_ =	shalt  }
0x7e: {  	_ =	shalt  }
0x7f: {  	_ =	shalt  }
0x80: {  	_ =	shalt  }
0x81: {  	_ =	shalt  }
0x82: {  	_ =	shalt  }
0x83: {  	_ =	shalt  }
0x84: {  	_ =	shalt  }
0x85: {  	_ =	shalt  }
0x86: {  	_ =	shalt  }
0x87: {  	_ =	shalt  }
.Lfunc_end0:
.L_simem_size_0:
called_computation_lowered:
.L_overlay_start_0:
0x88: {  	s2 =	sld [smem:$0x3FD9]  }
0x89: {  	s3 =	sld [smem:$0x3FFE];
	_ =	sdelay $0x1  }
0x8a: {  	s1 =	srdreg.scid  }
0x8b: {  	s0 =	sand.u32 $0x1, s1  }
0x8c: {  	s16 =	sshll.u32 s0, $0xA;
	s2 =	sadd.s32 s3, s2  }
0x8d: {  	s2 =	sadd.s32 s2, s16  }
0x8e: {  	[smem:$0x3FBB] =	sst s2  }
0x8f: {  	_ = 	snop  }
0x90: {  	(tm) =	ssettm $0x1  }
0x91: {  	s17 =	sld [smem:$0x3FFB];
	_ =	sdelay $0x3  }
0x92: {  	_ =	strace s17  }
0x93: {  	s2 =	sld [smem:$0x3FFC];
	_ =	sdelay $0x3  }
0x94: {  	_ =	strace s2  }
0x95: {  	s2 =	sld [smem:$0x3FFD];
	_ =	sdelay $0x3  }
0x96: {  	_ =	strace s2  }
0x97: {  	_ =	strace $0x8FFFFFFF  }
0x98: {  	s18 =	sld [smem:$0x3FDB];
	_ =	sdelay $0x1  }
0x99: {  	s19 =	simm.s32 $_scs_section_size  }
0x9a: {  	s4 =	simm.s32 $_size__tile_overlayer_lowered;
	s5 =	simm.s32 $_tile_overlayer_lowered  }
0x9b: {  	s22 =	simm.s32 $0x1BFF;
	s21 =	sshll.u32 s5, $0x1;
	s2 =	sadd.s32 s19, s18  }
0x9c: {  	s6 =	simm.s32 $0x0;
	s20 =	sshll.u32 s4, $0x1;
	s4 =	sadd.s32 s21, s2  }
0x9d: {  	[timem:s6], [sflag:s22] =	dma.local [hbm:s4], s20  }
0x9e: {  	_ =	swait.ge [sflag:s22], s20  }
0x9f: {  	s3 =	ssub.s32 $0x0, s20;
	[sflag:s22] =	ssyncset.done $0x0  }
0xa0: {  	[sflag:s22] =	ssyncadd.s32 s3;
	_ =	sdelay $0x1  }
0xa1: {  	s23 =	simm.s32 $0x1B8B  }
0xa2: {  	_ =	swait.ge [sflag:s23], $0x1  }
0xa3: {  	[sflag:s23] =	ssyncset.done $0x0  }
0xa4: {  	s25 =	simm.s32 $0x1B8E;
	s24 =	sld [smem:$0x3FFE];
	[sflag:s23] =	ssyncadd.s32 $0xFFFFFFFF  }
0xa5: {  	s26 =	simm.s32 $execute0_lowered;
	[smem:$0x3FD2] =	sst s25  }
0xa6: {  	s4 =	sshll.u32 s26, $0x1;
	_ =	strace $0x80000046;
	[dreg:$0x1] =	wrdreg $0xFFFFFFFF  }
0xa7: {  	s28 =	simm.s32 $_size_execute0_lowered;
	s2 =	sadd.s32 s2, s4;
	[dreg:$0x0] =	wrdreg $0x0  }
0xa8: {  	s4 =	sshll.u32 s28, $0x1;
	[dreg:$0x2] =	wrdreg s2  }
0xa9: {  	[dreg:$0x3] =	wrdreg s4  }
0xaa: {  	[dreg:$0x4] =	wrdreg $0xC0  }
0xab: {  	_ =	task [dreg:s6], $0x5FFFF  }
0xac: {  	[dreg:$0x1] =	wrdreg $0xFFFFFFFF  }
0xad: {  	[dreg:$0x0] =	wrdreg $0x60  }
0xae: {  	[dreg:$0x2] =	wrdreg s24  }
0xaf: {  	[dreg:$0x3] =	wrdreg $0xC0000  }
0xb0: {  	[dreg:$0x4] =	wrdreg $0x9  }
0xb1: {  	_ =	task.clear_ibuf [dreg:s6], $0x5FFFF;
	_ =	strace $0x90000046  }
0xb2: {  	s29 =	simm.s32 $0x9;
	_ =	strace $0x80000048  }
0xb3: {  	_ =	swait.ge [sflag:s29], $0x1  }
0xb4: {  	[sflag:s29] =	ssyncadd.s32 $0xFFFFFFFF  }
0xb5: {  	_ =	strace $0x90000048  }
0xb6: {  	_ =	sfence  }
0xb7: {  	s30 =	sld [smem:$0x0];
	_ =	sdelay $0x2  }
0xb8: {  	s31 =	sshll.u32 s1, $0xD;
	s1 =	sshrl.u32 s1, $0x2  }
0xb9: {  	s3 =	sand.u32 $0x4000, s31;
	s1 =	sadd.s32 s1, s30  }
0xba: {  	s0 =	sor.u32 s3, s0;
	s1 =	sshll.u32 s1, $0x11  }
0xbb: {  	s0 =	sor.u32 s1, s0  }
0xbc: {  	s0 =	sadd.s32 $0x8F2B, s0  }
0xbd: {  	[sflag:s0] =	ssyncadd.remote.s32 $0x1  }
0xbe: {  	_ =	sfence.sel $0xFFFF  }
0xbf: {  	[dreg:$0x0] =	wrdreg $0xFFFFFFFF;
	(pc) =	sbr.abs _section_cstart, $3  }
0xc0: {  	[dreg:$0x1] =	wrdreg $0xFFFFFFFF  }
0xc1: {  	_ =	task.clear_ibuf [dreg:s6], $0x2FFFF;
	_ =	strace $0x9FFFFFFF  }
0xc2: {  	(tm) =	ssettm $0x7FFFFFFF  }
0xc3: {  	_ =	shalt  }
tec
execute0_lowered:
.L_overlay_start_1:
0x0: {  	(tag) =	ssettag $0x1  }
0x1: {  	s6 =	rddreg [dreg:$0x0]  }
0x2: {  	s2 =	rddreg [dreg:$0x1]  }
0x3: {  	s4 =	srdreg.scid;
	s3 =	simm.s32 $0x0;
	s0 =	stileid.u32  }
0x4: {  	s12 =	simm.s32 $0xA000;
	s19 =	simm.s32 $0x80;
	s20 =	simm.s32 $0x4000  }
0x5: {  	s21 =	simm.s32 $0x1;
	s22 =	simm.s32 $0x2;
	s23 =	simm.s32 $0x9F80  }
0x6: {  	s24 =	simm.s32 $0xBF00;
	s26 =	simm.s32 $0xBF80;
	s28 =	simm.s32 $0x0  }
0x7: {  	s8 =	sand.u32 $0x1, s4;
	[smem:$0x7FF] =	sst s3;
	s5 =	sshll.u32 s0, $0xA  }
0x8: {  	s9 =	smul.u32 $0x50000, s0;
	s10 =	sshll.u32 s0, $0xD;
	s31 =	sshll.u32 s0, $0x10  }
0x9: {  	s13 =	sshll.u32 s0, $0x6;
	s4 =	sshll.u32 s8, $0xE;
	_ =	strace $0x80000047  }
0xa: {  	s11 =	ssub.s32 $0x2, s8;
	s10 =	sadd.s32 s10, s6;
	s8 =	sshll.u32 s8, $0x11  }
0xb: {  	s25 =	sadd.s32 s31, s2;
	s13 =	sor.u32 $0x1C03, s13;
	s5 =	sor.u32 s5, s4  }
0xc: {  	s4 =	sadd.s32 $0x53C00, s6;
	s30 =	sshrl.u32 s11, $0x1;
	s9 =	sshrl.u32 s9, $0x2  }
0xd: {  	s8 =	sadd.s32 s8, s10;
	s10 =	simm.s32 $0x8000;
	s25 =	sshrl.u32 s25, $0x3  }
0xe: {  	s7 =	sadd.s32 s5, s6;
	s5 =	sadd.s32 $0xD3C00, s6;
	s11 =	ssub.s32 s11, s30  }
0xf: {  	s14 =	sadd.s32 s9, s2;
	s8 =	sadd.s32 $0xD4400, s8;
	s6 =	sadd.s32 $0x43C00, s7  }
0x10: {  	s7 =	sadd.s32 $0x4BC00, s7;
	s15 =	sadd.s32 $0x4000, s14;
	s16 =	sadd.s32 $0x8000, s14  }
0x11: {  	s17 =	sadd.s32 $0xC000, s14;
	s18 =	sadd.s32 $0x10000, s14;
	s9 =	smax.u32 s11, $0x1  }
0x12: {  	s11 =	simm.s32 $0x3;
	s14 =	sshrl.u32 s14, $0x3;
	s15 =	sshrl.u32 s15, $0x3  }
0x13: {  	s16 =	sshrl.u32 s16, $0x3;
	s17 =	sshrl.u32 s17, $0x3;
	s18 =	sshrl.u32 s18, $0x3  }
.LBB2_1:
0x14: {  	[tilespmem:s10], [sflag:$0x3] =	stream.linear.gather [hbm4b:s6+s3], $0x2000, $0x38;
	v63 =	vld [tilespmem:$0x0]  }
0x15: {  	_ =	swait.ge [sflag:s11], $0x2000  }
0x16: {  	[sflag:s11] =	ssyncset.done $0x0  }
0x17: {  	[sflag:s11] =	ssyncadd.s32 $0xFFFFE000  }
0x18: {  	[tilespmem:s12], [sflag:$0x3] =	stream.linear.gather [hbm4b:s7+s3], $0x2000, $0x38;
	v63 =	vld [tilespmem:$0x0]  }
0x19: {  	_ =	swait.ge [sflag:s11], $0x2000  }
0x1a: {  	[sflag:s11] =	ssyncset.done $0x0  }
0x1b: {  	[sflag:s11] =	ssyncadd.s32 $0xFFFFE000  }
0x1c: {  	[spmem:s14], [sflag:s13] =	dma.local [hbm:s5], $0x800  }
0x1d: {  	_ =	swait.ge [sflag:s11], $0x800  }
0x1e: {  	[sflag:s11] =	ssyncset.done $0x0  }
0x1f: {  	[sflag:s11] =	ssyncadd.s32 $0xFFFFF800  }
0x20: {  	[spmem:s15], [sflag:s13] =	dma.local [hbm:s5], $0x800  }
0x21: {  	_ =	swait.ge [sflag:s11], $0x800  }
0x22: {  	[sflag:s11] =	ssyncset.done $0x0  }
0x23: {  	[sflag:s11] =	ssyncadd.s32 $0xFFFFF800  }
0x24: {  	[spmem:s16], [sflag:s13] =	dma.local [hbm:s5], $0x800  }
0x25: {  	_ =	swait.ge [sflag:s11], $0x800  }
0x26: {  	[sflag:s11] =	ssyncset.done $0x0  }
0x27: {  	[sflag:s11] =	ssyncadd.s32 $0xFFFFF800  }
0x28: {  	[spmem:s17], [sflag:s13] =	dma.local [hbm:s5], $0x800  }
0x29: {  	_ =	swait.ge [sflag:s11], $0x800  }
0x2a: {  	[sflag:s11] =	ssyncset.done $0x0  }
0x2b: {  	[sflag:s11] =	ssyncadd.s32 $0xFFFFF800  }
0x2c: {  	[spmem:s18], [sflag:s13] =	dma.local [hbm:s5], $0x800  }
0x2d: {  	_ =	swait.ge [sflag:s11], $0x800  }
0x2e: {  	[sflag:s11] =	ssyncset.done $0x0  }
0x2f: {  	[sflag:s11] =	ssyncadd.s32 $0xFFFFF800  }
0x30: {  	[bflag:$0x0] =	sbarrier.arrive $0xFFFF  }
0x31: {  	[tilespmem:s3], [sflag:$0x1] =	stream.indirect.gather [hbm4b:s4+s19], $0x80, s10, s19, $0xb8;
	v63 =	vld [tilespmem:$0x0]  }
0x32: {  	s29 =	simm.s32 $0x8080  }
0x33: {  	[tilespmem:s20], [sflag:$0x2] =	stream.indirect.gather [hbm4b:s4+s19], $0x80, s29, s19, $0xb8;
	v63 =	vld [tilespmem:$0x0]  }
0x34: {  	_ =	swait.ge [sflag:s21], $0x4000  }
0x35: {  	[sflag:s21] =	ssyncset.done $0x0  }
0x36: {  	s29 =	simm.s32 $0xA000;
	[sflag:s21] =	ssyncadd.s32 $0xFFFFC000  }
0x37: {  	[spmem:s2] =	stream.indirect.scatter.add.f32 [tilespmem:s3], [sflag:$0x3], $0x80, s29, s19, $0xb8;
	v63 =	vld [tilespmem:$0x0]  }
0x38: {  	_ =	swait.ge [sflag:s11], $0x4000  }
0x39: {  	[sflag:s11] =	ssyncset.done $0x0  }
0x3a: {  	s29 =	simm.s32 $0x8100;
	[sflag:s11] =	ssyncadd.s32 $0xFFFFC000  }
0x3b: {  	[tilespmem:s3], [sflag:$0x1] =	stream.indirect.gather [hbm4b:s4+s19], $0x80, s29, s19, $0xb8;
	v63 =	vld [tilespmem:$0x0]  }
0x3c: {  	_ =	swait.ge [sflag:s22], $0x4000  }
0x3d: {  	[sflag:s22] =	ssyncset.done $0x0  }
0x3e: {  	s29 =	simm.s32 $0xA080;
	[sflag:s22] =	ssyncadd.s32 $0xFFFFC000  }
0x3f: {  	[spmem:s2] =	stream.indirect.scatter.add.f32 [tilespmem:s20], [sflag:$0x3], $0x80, s29, s19, $0xb8;
	v63 =	vld [tilespmem:$0x0]  }
0x40: {  	_ =	swait.ge [sflag:s11], $0x4000  }
0x41: {  	s30 =	simm.s32 $0x800;
	s29 =	simm.s32 $0x100;
	[sflag:s11] =	ssyncset.done $0x0  }
.LBB2_2:
0x42: {  	s31 =	sadd.s32 $0x8080, s29  }
0x43: {  	[sflag:s11] =	ssyncadd.s32 $0xFFFFC000;
	s0 =	smov.u32 s30;
	s1 =	sadd.s32 $0x400, s30  }
0x44: {  	[tilespmem:s20], [sflag:$0x2] =	stream.indirect.gather [hbm4b:s4+s19], $0x80, s31, s19, $0xb8;
	v63 =	vld [tilespmem:$0x0]  }
0x45: {  	p0 =	sne.s32 s30, $0x7800;
	_ =	swait.ge [sflag:s21], $0x4000  }
0x46: {  	[sflag:s21] =	ssyncset.done $0x0  }
0x47: {  	s30 =	sadd.s32 $0xA000, s29;
	[sflag:s21] =	ssyncadd.s32 $0xFFFFC000  }
0x48: {  	[spmem:s2] =	stream.indirect.scatter.add.f32 [tilespmem:s3], [sflag:$0x3], $0x80, s30, s19, $0xb8;
	v63 =	vld [tilespmem:$0x0]  }
0x49: {  	_ =	swait.ge [sflag:s11], $0x4000  }
0x4a: {  	[sflag:s11] =	ssyncset.done $0x0  }
0x4b: {  	s30 =	sadd.s32 $0x8100, s29;
	[sflag:s11] =	ssyncadd.s32 $0xFFFFC000  }
0x4c: {  	[tilespmem:s3], [sflag:$0x1] =	stream.indirect.gather [hbm4b:s4+s19], $0x80, s30, s19, $0xb8;
	v63 =	vld [tilespmem:$0x0]  }
0x4d: {  	_ =	swait.ge [sflag:s22], $0x4000  }
.Ltmp0:
0x4e: {  	[sflag:s22] =	ssyncset.done $0x0;
	(pc) =	sbr.rel @p0 .LBB2_2-.Ltmp0, $4  }
0x4f: {  	s29 =	sadd.s32 $0xA080, s29;
	[sflag:s22] =	ssyncadd.s32 $0xFFFFC000  }
0x50: {  	[spmem:s2] =	stream.indirect.scatter.add.f32 [tilespmem:s20], [sflag:$0x3], $0x80, s29, s19, $0xb8;
	v63 =	vld [tilespmem:$0x0]  }
0x51: {  	_ =	swait.ge [sflag:s11], $0x4000  }
0x52: {  	s30 =	smov.u32 s1;
	s29 =	sshra.s32 s0, $0x2;
	[sflag:s11] =	ssyncset.done $0x0  }
0x53: {  	s0 =	sadd.s32 $0x8080, s29;
	[sflag:s11] =	ssyncadd.s32 $0xFFFFC000  }
0x54: {  	[tilespmem:s20], [sflag:$0x2] =	stream.indirect.gather [hbm4b:s4+s19], $0x80, s0, s19, $0xb8;
	v63 =	vld [tilespmem:$0x0]  }
0x55: {  	_ =	swait.ge [sflag:s21], $0x4000  }
0x56: {  	[sflag:s21] =	ssyncset.done $0x0  }
0x57: {  	s1 =	sadd.s32 $0xA000, s29;
	[sflag:s21] =	ssyncadd.s32 $0xFFFFC000  }
0x58: {  	[spmem:s2] =	stream.indirect.scatter.add.f32 [tilespmem:s3], [sflag:$0x3], $0x80, s1, s19, $0xb8;
	v63 =	vld [tilespmem:$0x0]  }
0x59: {  	_ =	swait.ge [sflag:s11], $0x4000  }
0x5a: {  	[sflag:s11] =	ssyncset.done $0x0  }
0x5b: {  	s30 =	sadd.s32 $0x8100, s29;
	[sflag:s11] =	ssyncadd.s32 $0xFFFFC000  }
0x5c: {  	[tilespmem:s3], [sflag:$0x1] =	stream.indirect.gather [hbm4b:s4+s19], $0x80, s30, s19, $0xb8;
	v63 =	vld [tilespmem:$0x0]  }
0x5d: {  	_ =	swait.ge [sflag:s22], $0x4000  }
0x5e: {  	[sflag:s22] =	ssyncset.done $0x0  }
0x5f: {  	s31 =	sadd.s32 $0xA080, s29;
	[sflag:s22] =	ssyncadd.s32 $0xFFFFC000  }
0x60: {  	[spmem:s2] =	stream.indirect.scatter.add.f32 [tilespmem:s20], [sflag:$0x3], $0x80, s31, s19, $0xb8;
	v63 =	vld [tilespmem:$0x0]  }
0x61: {  	_ =	swait.ge [sflag:s11], $0x4000  }
0x62: {  	[sflag:s11] =	ssyncset.done $0x0  }
0x63: {  	[sflag:s11] =	ssyncadd.s32 $0xFFFFC000  }
0x64: {  	[tilespmem:s20], [sflag:$0x2] =	stream.indirect.gather [hbm4b:s4+s19], $0x80, s23, s19, $0xb8;
	v63 =	vld [tilespmem:$0x0]  }
0x65: {  	_ =	swait.ge [sflag:s21], $0x4000  }
0x66: {  	[sflag:s21] =	ssyncset.done $0x0  }
0x67: {  	[sflag:s21] =	ssyncadd.s32 $0xFFFFC000  }
0x68: {  	[spmem:s2] =	stream.indirect.scatter.add.f32 [tilespmem:s3], [sflag:$0x3], $0x80, s24, s19, $0xb8;
	v63 =	vld [tilespmem:$0x0]  }
0x69: {  	_ =	swait.ge [sflag:s11], $0x4000  }
0x6a: {  	[sflag:s11] =	ssyncset.done $0x0  }
0x6b: {  	[sflag:s11] =	ssyncadd.s32 $0xFFFFC000  }
0x6c: {  	_ =	swait.ge [sflag:s22], $0x4000  }
0x6d: {  	[sflag:s22] =	ssyncset.done $0x0  }
0x6e: {  	[sflag:s22] =	ssyncadd.s32 $0xFFFFC000  }
0x6f: {  	[spmem:s2] =	stream.indirect.scatter.add.f32 [tilespmem:s20], [sflag:$0x3], $0x80, s26, s19, $0xb8;
	v63 =	vld [tilespmem:$0x0]  }
0x70: {  	_ =	swait.ge [sflag:s11], $0x4000  }
0x71: {  	s28 =	sadd.s32 $0x1, s28;
	[sflag:s11] =	ssyncset.done $0x0  }
0x72: {  	p0 =	sne.s32 s28, s9;
	[sflag:s11] =	ssyncadd.s32 $0xFFFFC000  }
.Ltmp1:
0x73: {  	[bflag:$0x0] =	sbarrier.arrive $0xFFFF;
	(pc) =	sbr.rel @p0 .LBB2_1-.Ltmp1, $4  }
0x74: {  	[hbm:s8], [sflag:s13] =	dma.local [spmem:s25], $0x2000  }
0x75: {  	_ =	swait.ge [sflag:s11], $0x2000  }
0x76: {  	[sflag:s11] =	ssyncset.done $0x0  }
0x77: {  	[sflag:s11] =	ssyncadd.s32 $0xFFFFE000  }
0x78: {  	_ =	sfence.sel $0x180000  }
0x79: {  	[bflag:$0x0] =	sbarrier.arrive $0xFFFF  }
0x7a: {  	_ =	strace $0x90000047  }
0x7b: {  	s0 =	stileid.u32;
	[bflag:$0x2] =	sbarrier.arrive $0xFFFF  }
0x7c: {  	p0 =	sne.s32 s0, $0x0;
	s0 =	rddreg [dreg:$0x2]  }
0x7d: {  	s0 =	sadd.s32 @!p0 $0x100000, s0  }
0x7e: {  	[sflag:s0] =	ssyncadd.tile.s32 @!p0 $0x1;
	_ =	shalt  }
.Lfunc_end2:
_tile_overlayer_lowered:
.L_overlay_start_2:
0x7f: {  	(tag) =	ssettag $0x2  }
0x80: {  	s0 =	rddreg [dreg:$0x0];
	s2 =	stileid.u32  }
0x81: {  	s1 =	rddreg [dreg:$0x1];
	p0 =	sne.s32 s2, $0x0  }
0x82: {  	s3 =	rddreg [dreg:$0x2];
	[bflag:$0x3] =	sbarrier.arrive $0xFFFF;
	s2 =	simm.s32 @!p0 $0x1C03  }
0x83: {  	[timem:s3], [sflag:s2] =	dma.local @!p0 [hbm:s0], s1  }
0x84: {  	s0 =	simm.s32 @!p0 $0x3  }
0x85: {  	_ =	swait.ge @!p0 [sflag:s0], s1  }
0x86: {  	s1 =	ssub.s32 @!p0 $0x0, s1;
	[sflag:s0] =	ssyncset.done @!p0 $0x0  }
0x87: {  	[sflag:s0] =	ssyncadd.s32 @!p0 s1  }
0x88: {  	[bflag:$0x3] =	sbarrier.arrive $0xFFFF  }
0x89: {  	_ =	shalt  }

</sc_bundles>
